<compile_context>
chip_gen: v7x
topology: tpu7x:2x2x1
jax: 0.10.2.dev20260603
libtpu: 0.0.44.dev20260713+nightly
codegen_flags: <defaults>
</compile_context>

<pallas_src>
import jax
import jax.numpy as jnp
from jax import lax
from jax.experimental import pallas as pl
from jax.experimental.pallas import tpu as pltpu
from jax.experimental.pallas import tpu_sc as plsc

N_CELL, N_GENE, N_PEAK = 5000, 2500, 2500
N = N_CELL + N_GENE + N_PEAK
E = 320000
D = 128
H = 128
ETYPES = 4

NC, NS, L = 2, 16, 16
NW = NC * NS
CHUNK = 128
NCH = 79
E_PAD = NW * NCH * CHUNK
N_PAD = 10112
ROWS_PER_TILE = N_PAD // NS
DUMMY_DST = N_PAD - 1


def _transform_body(x_ref, w_ref, o_ref):
    o_ref[0] = jnp.dot(x_ref[...], w_ref[0], preferred_element_type=jnp.float32)


def _idx_body(et_ref, src_ref, rid_ref):
    rid_ref[...] = et_ref[...] * N + src_ref[...]


def _sc_body(table, rid_hbm, dst_hbm, agg_out, deg_out,
             rid_v, dst_v, rows_v, deg_v, agg_sh, sem):
    cid = lax.axis_index("c")
    sid = lax.axis_index("s")
    wid = sid * NC + cid

    def _zrow(r, _):
        for j in range(H // L):
            rows_v[r, pl.ds(j * L, L)] = jnp.zeros((L,), jnp.float32)
        return 0
    lax.fori_loop(0, CHUNK, _zrow, 0)

    def _zdeg(r, _):
        deg_v[pl.ds(r * L, L)] = jnp.zeros((L,), jnp.float32)
        return 0
    lax.fori_loop(0, N_PAD // L, _zdeg, 0)

    base = sid * ROWS_PER_TILE
    _NZ = ROWS_PER_TILE // CHUNK

    def _zcp(c, _):
        pltpu.sync_copy(rows_v, agg_sh.at[pl.ds(base + c * CHUNK, CHUNK)])
        return 0
    lax.fori_loop(0, _NZ, _zcp, 0)
    if ROWS_PER_TILE % CHUNK:
        pltpu.sync_copy(rows_v.at[pl.ds(0, ROWS_PER_TILE - _NZ * CHUNK)],
                        agg_sh.at[pl.ds(base + _NZ * CHUNK,
                                        ROWS_PER_TILE - _NZ * CHUNK)])

    plsc.subcore_barrier()

    pltpu.sync_copy(rid_hbm.at[wid], rid_v)
    pltpu.sync_copy(dst_hbm.at[wid], dst_v)

    def _step(ch, _):
        pltpu.async_copy(table.at[rid_v.at[ch]], rows_v, sem).wait()
        pltpu.sync_copy(rows_v, agg_sh.at[dst_v.at[ch]], add=True)
        for j in range(CHUNK // L):
            dj = dst_v[ch, pl.ds(j * L, L)]
            cnt, last = plsc.scan_count(dj)
            plsc.addupdate_scatter(deg_v, [dj], cnt.astype(jnp.float32),
                                   mask=last)
        return 0
    lax.fori_loop(0, NCH, _step, 0)

    pltpu.sync_copy(deg_v, deg_out.at[wid])

    plsc.subcore_barrier()

    pltpu.sync_copy(agg_sh.at[pl.ds(base, ROWS_PER_TILE)],
                    agg_out.at[cid, pl.ds(base, ROWS_PER_TILE)])


BLK = 2000


def _finalize_body(aggp_ref, degp_ref, x_ref, wself_ref, wfc_ref, b_ref, o_ref):
    pid = pl.program_id(0)
    agg = aggp_ref[0] + aggp_ref[1]
    deg = jnp.sum(degp_ref[...], axis=1, keepdims=True)
    agg_n = agg / jnp.maximum(deg, 1.0)
    x = x_ref[...]
    d0 = jnp.dot(x, wself_ref[0], preferred_element_type=jnp.float32)
    d1 = jnp.dot(x, wself_ref[1], preferred_element_type=jnp.float32)
    d2 = jnp.dot(x, wself_ref[2], preferred_element_type=jnp.float32)
    ii = pid * BLK + lax.broadcasted_iota(jnp.int32, (BLK, 1), 0)
    self_t = jnp.where(ii < N_CELL, d0,
                       jnp.where(ii < N_CELL + N_GENE, d1, d2))
    rep = jnp.maximum(self_t + agg_n, 0.0)
    out = jnp.dot(rep, wfc_ref[:H, :], preferred_element_type=jnp.float32)
    out = out + jnp.dot(agg_n, wfc_ref[H:, :], preferred_element_type=jnp.float32)
    out = out + b_ref[...]
    o_ref[...] = jnp.maximum(out, 0.0)


def kernel(x, edge_index, node_type, edge_type, W_msg, W_self, W_fc1, b_fc1):
    del node_type

    transformed = pl.pallas_call(
        _transform_body,
        grid=(ETYPES, 5),
        in_specs=[pl.BlockSpec((N // 5, D), lambda t, nb: (nb, 0)),
                  pl.BlockSpec((1, D, H), lambda t, nb: (t, 0, 0))],
        out_specs=pl.BlockSpec((1, N // 5, H), lambda t, nb: (t, nb, 0)),
        out_shape=jax.ShapeDtypeStruct((ETYPES, N, H), jnp.float32),
    )(x, W_msg)
    table = transformed.reshape(ETYPES * N, H)

    src = edge_index[0].astype(jnp.int32)
    dst = edge_index[1].astype(jnp.int32)
    et = edge_type.astype(jnp.int32)
    pad = E_PAD - E
    src_p = jnp.concatenate([src, jnp.zeros((pad,), jnp.int32)])
    et_p = jnp.concatenate([et, jnp.zeros((pad,), jnp.int32)])
    dst_p = jnp.concatenate([dst, jnp.full((pad,), DUMMY_DST, jnp.int32)])

    rid = pl.pallas_call(
        _idx_body,
        out_shape=jax.ShapeDtypeStruct((NW * NCH, CHUNK), jnp.int32),
    )(et_p.reshape(NW * NCH, CHUNK), src_p.reshape(NW * NCH, CHUNK))
    rid_hbm = rid.reshape(NW, NCH, CHUNK)
    dst_hbm = dst_p.reshape(NW, NCH, CHUNK)

    sc = pl.kernel(
        _sc_body,
        out_type=(jax.ShapeDtypeStruct((NC, N_PAD, H), jnp.float32),
                  jax.ShapeDtypeStruct((NW, N_PAD), jnp.float32)),
        mesh=plsc.VectorSubcoreMesh(core_axis_name="c", subcore_axis_name="s",
                                    num_cores=NC, num_subcores=NS),
        compiler_params=pltpu.CompilerParams(needs_layout_passes=False),
        scratch_types=[
            pltpu.VMEM((NCH, CHUNK), jnp.int32),
            pltpu.VMEM((NCH, CHUNK), jnp.int32),
            pltpu.VMEM((CHUNK, H), jnp.float32),
            pltpu.VMEM((N_PAD,), jnp.float32),
            pltpu.VMEM_SHARED((N_PAD, H), jnp.float32),
            pltpu.SemaphoreType.DMA,
        ],
    )
    aggp, degp = sc(table, rid_hbm, dst_hbm)

    out = pl.pallas_call(
        _finalize_body,
        grid=(N // BLK,),
        in_specs=[pl.BlockSpec((NC, BLK, H), lambda i: (0, i, 0)),
                  pl.BlockSpec((BLK, NW), lambda i: (i, 0)),
                  pl.BlockSpec((BLK, D), lambda i: (i, 0)),
                  pl.BlockSpec((3, D, H), lambda i: (0, 0, 0)),
                  pl.BlockSpec((2 * H, H), lambda i: (0, 0)),
                  pl.BlockSpec((1, H), lambda i: (0, 0))],
        out_specs=pl.BlockSpec((BLK, H), lambda i: (i, 0)),
        out_shape=jax.ShapeDtypeStruct((N, H), jnp.float32),
    )(aggp, degp.T, x, W_self, W_fc1, b_fc1.reshape(1, H))
    return out

# --- scband reference (transcript-rebuilt; emitter-appended) ---
"""Pipeline reference for scband-mars-gt-48000554500448 (READ-ONLY COPY).

The authoritative reference and input builder live on the scoring server;
editing this copy changes nothing except your own understanding.
"""

import jax, jax.numpy as jnp
import numpy as np

N_CELL = 5000
N_GENE = 2500
N_PEAK = 2500
N = N_CELL + N_GENE + N_PEAK  # 10000
E = 320000
D = 128   # input feature dim
H = 128   # n_hid
NTYPES = 3  # cell, gene, peak
ETYPES = 4  # gene->cell, cell->gene, peak->cell, cell->peak


def setup_inputs(seed: int = 0) -> dict:
    key = jax.random.key(seed)
    ks = jax.random.split(key, 8)
    x = jax.random.normal(ks[0], (N, D), dtype=jnp.float32)
    edge_index = jax.random.randint(ks[1], (2, E), 0, N)
    # MarsGT builds node_type as contiguous blocks: cells(0), genes(1), peaks(2)
    node_type = jnp.concatenate([
        jnp.zeros((N_CELL,), dtype=jnp.int32),
        jnp.ones((N_GENE,), dtype=jnp.int32),
        2 * jnp.ones((N_PEAK,), dtype=jnp.int32),
    ])
    edge_type = jax.random.randint(ks[2], (E,), 0, ETYPES)
    # heterogeneous GNN parameters: per-edge-type message transform, per-node-type self transform
    W_msg = (jax.random.normal(ks[3], (ETYPES, D, H)) / np.sqrt(D)).astype(jnp.float32)
    W_self = (jax.random.normal(ks[4], (NTYPES, D, H)) / np.sqrt(D)).astype(jnp.float32)
    # Net module: Linear(2*n_hid -> n_hid) + ReLU
    W_fc1 = (jax.random.normal(ks[5], (2 * H, H)) / np.sqrt(2 * H)).astype(jnp.float32)
    b_fc1 = jnp.zeros((H,), dtype=jnp.float32)
    return {
        'x': x,
        'edge_index': edge_index,
        'node_type': node_type,
        'edge_type': edge_type,
        'W_msg': W_msg,
        'W_self': W_self,
        'W_fc1': W_fc1,
        'b_fc1': b_fc1,
    }


def reference(x, edge_index, node_type, edge_type, W_msg, W_self, W_fc1, b_fc1):
    src = edge_index[0]
    dst = edge_index[1]
    n = x.shape[0]
    # per-edge-type linear transform of all node features: [ETYPES, N, H]
    transformed = jnp.einsum('nd,tdh->tnh', x, W_msg)
    # gather messages per edge according to (edge_type, src): [E, H]
    msg = transformed[edge_type, src]
    # scatter-add aggregation by destination node
    agg = jax.ops.segment_sum(msg, dst, num_segments=n)
    deg = jax.ops.segment_sum(jnp.ones((dst.shape[0],), dtype=x.dtype), dst, num_segments=n)
    agg_norm = agg / jnp.maximum(deg, 1.0)[:, None]
    # per-node-type self transform
    self_all = jnp.einsum('nd,tdh->tnh', x, W_self)
    self_t = self_all[node_type, jnp.arange(n)]
    node_rep = jax.nn.relu(self_t + agg_norm)
    # Net: relu(Linear(2*n_hid -> n_hid)) applied to concatenated representations
    net_in = jnp.concatenate([node_rep, agg_norm], axis=1)
    out = jax.nn.relu(net_in @ W_fc1 + b_fc1)
    return out

if __name__ == "__main__":
    import jax
    _d = setup_inputs()
    print(jax.jit(kernel)(*tuple(_d.values())))

</pallas_src>

<mosaic_0001>
#map = affine_map<(d0, d1) -> (0, 0)>
#map1 = affine_map<(d0, d1) -> (0, 0, 0)>
module attributes {stable_mosaic.version = 14 : i64} {
  func.func @_sc_body(%arg0: i32, %arg1: i32, %arg2: memref<40000x128xf32, #tpu.memory_space<hbm>>, %arg3: memref<32x79x128xi32, #tpu.memory_space<hbm>>, %arg4: memref<32x79x128xi32, #tpu.memory_space<hbm>>, %arg5: memref<2x10112x128xf32, #tpu.memory_space<hbm>>, %arg6: memref<32x10112xf32, #tpu.memory_space<hbm>>, %arg7: memref<79x128xi32, #tpu.memory_space<vmem>>, %arg8: memref<79x128xi32, #tpu.memory_space<vmem>>, %arg9: memref<128x128xf32, #tpu.memory_space<vmem>>, %arg10: memref<10112xf32, #tpu.memory_space<vmem>>, %arg11: memref<10112x128xf32, #tpu.memory_space<vmem_shared>>, %arg12: memref<!tpu.dma_semaphore, #tpu.memory_space<semaphore_mem>>) attributes {dimension_semantics = [#tpu.dimension_semantics<core_parallel>, #tpu.dimension_semantics<subcore_parallel>], iteration_bounds = array<i64: 2, 16>, scalar_prefetch = 0 : i64, scratch_operands = 6 : i64, tpu.core_type = #tpu.core_type<sc_vector_subcore>, window_params = [{transform_indices = #map}, {transform_indices = #map1}, {transform_indices = #map1}, {transform_indices = #map1}, {transform_indices = #map}]} {
    %mul3A = arith.constant 2 : i32
    %mul3A_0 = arith.muli %arg1, %mul3A : i32
    %add3A = arith.addi %mul3A_0, %arg0 : i32
    %scan3A = arith.constant 0 : i32
    %scan3A_1 = arith.constant 0 : i32
    %scan3A_2 = arith.constant 128 : i32
    %scan3A_3 = arith.addi %scan3A_1, %scan3A_2 : i32
    %scan3A_4 = arith.constant 1 : i32
    %scan3A_5 = scf.for %scan3A_33 = %scan3A_1 to %scan3A_3 step %scan3A_4 iter_args(%scan3A_34 = %scan3A) -> (i32)  : i32 {
      %broadcast_in_dim3A = arith.constant 0.000000e+00 : f32
      %broadcast_in_dim3A_35 = vector.broadcast %broadcast_in_dim3A : f32 to vector<16xf32>
      %swap3A = arith.index_cast %scan3A_33 : i32 to index
      %swap3A_36 = arith.constant 0 : index
      %swap3A_37 = tpu.vector_load %arg9[%swap3A, %swap3A_36] {strides = array<i32>} : memref<128x128xf32, #tpu.memory_space<vmem>>, vector<16xf32>,
      tpu.vector_store %arg9[%swap3A, %swap3A_36], %broadcast_in_dim3A_35 {strides = array<i32>} : memref<128x128xf32, #tpu.memory_space<vmem>>, vector<16xf32>,
      %broadcast_in_dim3A_38 = arith.constant 0.000000e+00 : f32
      %broadcast_in_dim3A_39 = vector.broadcast %broadcast_in_dim3A_38 : f32 to vector<16xf32>
      %swap3A_40 = arith.index_cast %scan3A_33 : i32 to index
      %swap3A_41 = arith.constant 16 : index
      %swap3A_42 = tpu.vector_load %arg9[%swap3A_40, %swap3A_41] {strides = array<i32>} : memref<128x128xf32, #tpu.memory_space<vmem>>, vector<16xf32>,
      tpu.vector_store %arg9[%swap3A_40, %swap3A_41], %broadcast_in_dim3A_39 {strides = array<i32>} : memref<128x128xf32, #tpu.memory_space<vmem>>, vector<16xf32>,
      %broadcast_in_dim3A_43 = arith.constant 0.000000e+00 : f32
      %broadcast_in_dim3A_44 = vector.broadcast %broadcast_in_dim3A_43 : f32 to vector<16xf32>
      %swap3A_45 = arith.index_cast %scan3A_33 : i32 to index
      %swap3A_46 = arith.constant 32 : index
      %swap3A_47 = tpu.vector_load %arg9[%swap3A_45, %swap3A_46] {strides = array<i32>} : memref<128x128xf32, #tpu.memory_space<vmem>>, vector<16xf32>,
      tpu.vector_store %arg9[%swap3A_45, %swap3A_46], %broadcast_in_dim3A_44 {strides = array<i32>} : memref<128x128xf32, #tpu.memory_space<vmem>>, vector<16xf32>,
      %broadcast_in_dim3A_48 = arith.constant 0.000000e+00 : f32
      %broadcast_in_dim3A_49 = vector.broadcast %broadcast_in_dim3A_48 : f32 to vector<16xf32>
      %swap3A_50 = arith.index_cast %scan3A_33 : i32 to index
      %swap3A_51 = arith.constant 48 : index
      %swap3A_52 = tpu.vector_load %arg9[%swap3A_50, %swap3A_51] {strides = array<i32>} : memref<128x128xf32, #tpu.memory_space<vmem>>, vector<16xf32>,
      tpu.vector_store %arg9[%swap3A_50, %swap3A_51], %broadcast_in_dim3A_49 {strides = array<i32>} : memref<128x128xf32, #tpu.memory_space<vmem>>, vector<16xf32>,
      %broadcast_in_dim3A_53 = arith.constant 0.000000e+00 : f32
      %broadcast_in_dim3A_54 = vector.broadcast %broadcast_in_dim3A_53 : f32 to vector<16xf32>
      %swap3A_55 = arith.index_cast %scan3A_33 : i32 to index
      %swap3A_56 = arith.constant 64 : index
      %swap3A_57 = tpu.vector_load %arg9[%swap3A_55, %swap3A_56] {strides = array<i32>} : memref<128x128xf32, #tpu.memory_space<vmem>>, vector<16xf32>,
      tpu.vector_store %arg9[%swap3A_55, %swap3A_56], %broadcast_in_dim3A_54 {strides = array<i32>} : memref<128x128xf32, #tpu.memory_space<vmem>>, vector<16xf32>,
      %broadcast_in_dim3A_58 = arith.constant 0.000000e+00 : f32
      %broadcast_in_dim3A_59 = vector.broadcast %broadcast_in_dim3A_58 : f32 to vector<16xf32>
      %swap3A_60 = arith.index_cast %scan3A_33 : i32 to index
      %swap3A_61 = arith.constant 80 : index
      %swap3A_62 = tpu.vector_load %arg9[%swap3A_60, %swap3A_61] {strides = array<i32>} : memref<128x128xf32, #tpu.memory_space<vmem>>, vector<16xf32>,
      tpu.vector_store %arg9[%swap3A_60, %swap3A_61], %broadcast_in_dim3A_59 {strides = array<i32>} : memref<128x128xf32, #tpu.memory_space<vmem>>, vector<16xf32>,
      %broadcast_in_dim3A_63 = arith.constant 0.000000e+00 : f32
      %broadcast_in_dim3A_64 = vector.broadcast %broadcast_in_dim3A_63 : f32 to vector<16xf32>
      %swap3A_65 = arith.index_cast %scan3A_33 : i32 to index
      %swap3A_66 = arith.constant 96 : index
      %swap3A_67 = tpu.vector_load %arg9[%swap3A_65, %swap3A_66] {strides = array<i32>} : memref<128x128xf32, #tpu.memory_space<vmem>>, vector<16xf32>,
      tpu.vector_store %arg9[%swap3A_65, %swap3A_66], %broadcast_in_dim3A_64 {strides = array<i32>} : memref<128x128xf32, #tpu.memory_space<vmem>>, vector<16xf32>,
      %broadcast_in_dim3A_68 = arith.constant 0.000000e+00 : f32
      %broadcast_in_dim3A_69 = vector.broadcast %broadcast_in_dim3A_68 : f32 to vector<16xf32>
      %swap3A_70 = arith.index_cast %scan3A_33 : i32 to index
      %swap3A_71 = arith.constant 112 : index
      %swap3A_72 = tpu.vector_load %arg9[%swap3A_70, %swap3A_71] {strides = array<i32>} : memref<128x128xf32, #tpu.memory_space<vmem>>, vector<16xf32>,
      tpu.vector_store %arg9[%swap3A_70, %swap3A_71], %broadcast_in_dim3A_69 {strides = array<i32>} : memref<128x128xf32, #tpu.memory_space<vmem>>, vector<16xf32>,
      %scan3A_73 = arith.constant 0 : i32
      scf.yield %scan3A_73 : i32
    }
    %scan3A_6 = arith.constant 128 : i32
    %scan3A_7 = arith.constant 0 : i32
    %scan3A_8 = arith.constant 0 : i32
    %scan3A_9 = arith.constant 632 : i32
    %scan3A_10 = arith.addi %scan3A_8, %scan3A_9 : i32
    %scan3A_11 = arith.constant 1 : i32
    %scan3A_12 = scf.for %scan3A_33 = %scan3A_8 to %scan3A_10 step %scan3A_11 iter_args(%scan3A_34 = %scan3A_7) -> (i32)  : i32 {
      %broadcast_in_dim3A = arith.constant 0.000000e+00 : f32
      %broadcast_in_dim3A_35 = vector.broadcast %broadcast_in_dim3A : f32 to vector<16xf32>
      %mul3A_36 = arith.constant 16 : i32
      %mul3A_37 = arith.muli %scan3A_33, %mul3A_36 : i32
      %swap3A = arith.index_cast %mul3A_37 : i32 to index
      %swap3A_38 = tpu.vector_load %arg10[%swap3A] {strides = array<i32>} : memref<10112xf32, #tpu.memory_space<vmem>>, vector<16xf32>,
      tpu.vector_store %arg10[%swap3A], %broadcast_in_dim3A_35 {strides = array<i32>} : memref<10112xf32, #tpu.memory_space<vmem>>, vector<16xf32>,
      %scan3A_39 = arith.constant 0 : i32
      scf.yield %scan3A_39 : i32
    }
    %scan3A_13 = arith.constant 632 : i32
    %mul3A_14 = arith.constant 632 : i32
    %mul3A_15 = arith.muli %arg1, %mul3A_14 : i32
    %scan3A_16 = arith.constant 0 : i32
    %scan3A_17 = arith.constant 0 : i32
    %scan3A_18 = arith.constant 4 : i32
    %scan3A_19 = arith.addi %scan3A_17, %scan3A_18 : i32
    %scan3A_20 = arith.constant 1 : i32
    %scan3A_21 = scf.for %scan3A_33 = %scan3A_17 to %scan3A_19 step %scan3A_20 iter_args(%scan3A_34 = %scan3A_16) -> (i32)  : i32 {
      %mul3A_35 = arith.constant 128 : i32
      %mul3A_36 = arith.muli %scan3A_33, %mul3A_35 : i32
      %add3A_37 = arith.addi %mul3A_15, %mul3A_36 : i32
      "tpu.region"() ({
        %run_scoped3A = tpu.sem_alloc : memref<!tpu.dma_semaphore, #tpu.memory_space<semaphore_mem>>
        %dma_start3A = arith.constant 0 : i32
        %dma_start3A_39 = tpu.memref_slice %arg11[%add3A_37, %dma_start3A] : memref<10112x128xf32, #tpu.memory_space<vmem_shared>> -> memref<128x128xf32, #tpu.memory_space<vmem_shared>>
        %dma_start3A_40 = arith.constant 0 : i32
        %dma_start3A_41 = tpu.memref_slice %arg11[%add3A_37, %dma_start3A_40] : memref<10112x128xf32, #tpu.memory_space<vmem_shared>> -> memref<128x128xf32, #tpu.memory_space<vmem_shared>>
        tpu.enqueue_dma source(%arg9 : memref<128x128xf32, #tpu.memory_space<vmem>>) target(%dma_start3A_41 : memref<128x128xf32, #tpu.memory_space<vmem_shared>>) target_semaphore(%run_scoped3A : memref<!tpu.dma_semaphore, #tpu.memory_space<semaphore_mem>>)
        %dma_wait3A = arith.constant 0 : i32
        %dma_wait3A_42 = tpu.memref_slice %arg11[%add3A_37, %dma_wait3A] : memref<10112x128xf32, #tpu.memory_space<vmem_shared>> -> memref<128x128xf32, #tpu.memory_space<vmem_shared>>
        %dma_wait3A_43 = arith.constant 0 : i32
        %dma_wait3A_44 = tpu.memref_slice %arg11[%add3A_37, %dma_wait3A_43] : memref<10112x128xf32, #tpu.memory_space<vmem_shared>> -> memref<128x128xf32, #tpu.memory_space<vmem_shared>>
        tpu.wait_dma2 semaphore(%run_scoped3A : memref<!tpu.dma_semaphore, #tpu.memory_space<semaphore_mem>>) src(%arg9 : memref<128x128xf32, #tpu.memory_space<vmem>>) dst(%dma_wait3A_44 : memref<128x128xf32, #tpu.memory_space<vmem_shared>>)
        tpu.yield
      }) : () -> ()
      %scan3A_38 = arith.constant 0 : i32
      scf.yield %scan3A_38 : i32
    }
    %scan3A_22 = arith.constant 4 : i32
    %add3A_23 = arith.constant 512 : i32
    %add3A_24 = arith.addi %mul3A_15, %add3A_23 : i32
    "tpu.region"() ({
      %run_scoped3A = tpu.sem_alloc : memref<!tpu.dma_semaphore, #tpu.memory_space<semaphore_mem>>
      %dma_start3A = arith.constant 0 : i32
      %dma_start3A_33 = arith.constant 0 : i32
      %dma_start3A_34 = tpu.memref_slice %arg9[%dma_start3A, %dma_start3A_33] : memref<128x128xf32, #tpu.memory_space<vmem>> -> memref<120x128xf32, #tpu.memory_space<vmem>>
      %dma_start3A_35 = arith.constant 0 : i32
      %dma_start3A_36 = tpu.memref_slice %arg11[%add3A_24, %dma_start3A_35] : memref<10112x128xf32, #tpu.memory_space<vmem_shared>> -> memref<120x128xf32, #tpu.memory_space<vmem_shared>>
      %dma_start3A_37 = arith.constant 0 : i32
      %dma_start3A_38 = tpu.memref_slice %arg11[%add3A_24, %dma_start3A_37] : memref<10112x128xf32, #tpu.memory_space<vmem_shared>> -> memref<120x128xf32, #tpu.memory_space<vmem_shared>>
      %dma_start3A_39 = arith.constant 0 : i32
      %dma_start3A_40 = arith.constant 0 : i32
      %dma_start3A_41 = tpu.memref_slice %arg9[%dma_start3A_39, %dma_start3A_40] : memref<128x128xf32, #tpu.memory_space<vmem>> -> memref<120x128xf32, #tpu.memory_space<vmem>>
      tpu.enqueue_dma source(%dma_start3A_41 : memref<120x128xf32, #tpu.memory_space<vmem>>) target(%dma_start3A_38 : memref<120x128xf32, #tpu.memory_space<vmem_shared>>) target_semaphore(%run_scoped3A : memref<!tpu.dma_semaphore, #tpu.memory_space<semaphore_mem>>)
      %dma_wait3A = arith.constant 0 : i32
      %dma_wait3A_42 = arith.constant 0 : i32
      %dma_wait3A_43 = tpu.memref_slice %arg9[%dma_wait3A, %dma_wait3A_42] : memref<128x128xf32, #tpu.memory_space<vmem>> -> memref<120x128xf32, #tpu.memory_space<vmem>>
      %dma_wait3A_44 = arith.constant 0 : i32
      %dma_wait3A_45 = tpu.memref_slice %arg11[%add3A_24, %dma_wait3A_44] : memref<10112x128xf32, #tpu.memory_space<vmem_shared>> -> memref<120x128xf32, #tpu.memory_space<vmem_shared>>
      %dma_wait3A_46 = arith.constant 0 : i32
      %dma_wait3A_47 = tpu.memref_slice %arg11[%add3A_24, %dma_wait3A_46] : memref<10112x128xf32, #tpu.memory_space<vmem_shared>> -> memref<120x128xf32, #tpu.memory_space<vmem_shared>>
      %dma_wait3A_48 = arith.constant 0 : i32
      %dma_wait3A_49 = arith.constant 0 : i32
      %dma_wait3A_50 = tpu.memref_slice %arg9[%dma_wait3A_48, %dma_wait3A_49] : memref<128x128xf32, #tpu.memory_space<vmem>> -> memref<120x128xf32, #tpu.memory_space<vmem>>
      tpu.wait_dma2 semaphore(%run_scoped3A : memref<!tpu.dma_semaphore, #tpu.memory_space<semaphore_mem>>) src(%dma_wait3A_50 : memref<120x128xf32, #tpu.memory_space<vmem>>) dst(%dma_wait3A_47 : memref<120x128xf32, #tpu.memory_space<vmem_shared>>)
      tpu.yield
    }) : () -> ()
    %barrier3A = arith.constant 0 : index
    tpu.barrier barrier_id(%barrier3A)
    "tpu.region"() ({
      %run_scoped3A = tpu.sem_alloc : memref<!tpu.dma_semaphore, #tpu.memory_space<semaphore_mem>>
      %dma_start3A = arith.constant 0 : i32
      %dma_start3A_33 = arith.constant 0 : i32
      %dma_start3A_34 = tpu.memref_slice %arg3[%add3A, %dma_start3A, %dma_start3A_33] : memref<32x79x128xi32, #tpu.memory_space<hbm>> -> memref<1x79x128xi32, #tpu.memory_space<hbm>>
      %dma_start3A_35 = tpu.memref_squeeze %dma_start3A_34 : memref<1x79x128xi32, #tpu.memory_space<hbm>> -> memref<79x128xi32, #tpu.memory_space<hbm>>
      %dma_start3A_36 = arith.constant 0 : i32
      %dma_start3A_37 = arith.constant 0 : i32
      %dma_start3A_38 = tpu.memref_slice %arg3[%add3A, %dma_start3A_36, %dma_start3A_37] : memref<32x79x128xi32, #tpu.memory_space<hbm>> -> memref<1x79x128xi32, #tpu.memory_space<hbm>>
      %dma_start3A_39 = tpu.memref_squeeze %dma_start3A_38 : memref<1x79x128xi32, #tpu.memory_space<hbm>> -> memref<79x128xi32, #tpu.memory_space<hbm>>
      tpu.enqueue_dma source(%dma_start3A_39 : memref<79x128xi32, #tpu.memory_space<hbm>>) target(%arg7 : memref<79x128xi32, #tpu.memory_space<vmem>>) target_semaphore(%run_scoped3A : memref<!tpu.dma_semaphore, #tpu.memory_space<semaphore_mem>>)
      %dma_wait3A = arith.constant 0 : i32
      %dma_wait3A_40 = arith.constant 0 : i32
      %dma_wait3A_41 = tpu.memref_slice %arg3[%add3A, %dma_wait3A, %dma_wait3A_40] : memref<32x79x128xi32, #tpu.memory_space<hbm>> -> memref<1x79x128xi32, #tpu.memory_space<hbm>>
      %dma_wait3A_42 = tpu.memref_squeeze %dma_wait3A_41 : memref<1x79x128xi32, #tpu.memory_space<hbm>> -> memref<79x128xi32, #tpu.memory_space<hbm>>
      %dma_wait3A_43 = arith.constant 0 : i32
      %dma_wait3A_44 = arith.constant 0 : i32
      %dma_wait3A_45 = tpu.memref_slice %arg3[%add3A, %dma_wait3A_43, %dma_wait3A_44] : memref<32x79x128xi32, #tpu.memory_space<hbm>> -> memref<1x79x128xi32, #tpu.memory_space<hbm>>
      %dma_wait3A_46 = tpu.memref_squeeze %dma_wait3A_45 : memref<1x79x128xi32, #tpu.memory_space<hbm>> -> memref<79x128xi32, #tpu.memory_space<hbm>>
      tpu.wait_dma2 semaphore(%run_scoped3A : memref<!tpu.dma_semaphore, #tpu.memory_space<semaphore_mem>>) src(%dma_wait3A_46 : memref<79x128xi32, #tpu.memory_space<hbm>>) dst(%arg7 : memref<79x128xi32, #tpu.memory_space<vmem>>)
      tpu.yield
    }) : () -> ()
    "tpu.region"() ({
      %run_scoped3A = tpu.sem_alloc : memref<!tpu.dma_semaphore, #tpu.memory_space<semaphore_mem>>
      %dma_start3A = arith.constant 0 : i32
      %dma_start3A_33 = arith.constant 0 : i32
      %dma_start3A_34 = tpu.memref_slice %arg4[%add3A, %dma_start3A, %dma_start3A_33] : memref<32x79x128xi32, #tpu.memory_space<hbm>> -> memref<1x79x128xi32, #tpu.memory_space<hbm>>
      %dma_start3A_35 = tpu.memref_squeeze %dma_start3A_34 : memref<1x79x128xi32, #tpu.memory_space<hbm>> -> memref<79x128xi32, #tpu.memory_space<hbm>>
      %dma_start3A_36 = arith.constant 0 : i32
      %dma_start3A_37 = arith.constant 0 : i32
      %dma_start3A_38 = tpu.memref_slice %arg4[%add3A, %dma_start3A_36, %dma_start3A_37] : memref<32x79x128xi32, #tpu.memory_space<hbm>> -> memref<1x79x128xi32, #tpu.memory_space<hbm>>
      %dma_start3A_39 = tpu.memref_squeeze %dma_start3A_38 : memref<1x79x128xi32, #tpu.memory_space<hbm>> -> memref<79x128xi32, #tpu.memory_space<hbm>>
      tpu.enqueue_dma source(%dma_start3A_39 : memref<79x128xi32, #tpu.memory_space<hbm>>) target(%arg8 : memref<79x128xi32, #tpu.memory_space<vmem>>) target_semaphore(%run_scoped3A : memref<!tpu.dma_semaphore, #tpu.memory_space<semaphore_mem>>)
      %dma_wait3A = arith.constant 0 : i32
      %dma_wait3A_40 = arith.constant 0 : i32
      %dma_wait3A_41 = tpu.memref_slice %arg4[%add3A, %dma_wait3A, %dma_wait3A_40] : memref<32x79x128xi32, #tpu.memory_space<hbm>> -> memref<1x79x128xi32, #tpu.memory_space<hbm>>
      %dma_wait3A_42 = tpu.memref_squeeze %dma_wait3A_41 : memref<1x79x128xi32, #tpu.memory_space<hbm>> -> memref<79x128xi32, #tpu.memory_space<hbm>>
      %dma_wait3A_43 = arith.constant 0 : i32
      %dma_wait3A_44 = arith.constant 0 : i32
      %dma_wait3A_45 = tpu.memref_slice %arg4[%add3A, %dma_wait3A_43, %dma_wait3A_44] : memref<32x79x128xi32, #tpu.memory_space<hbm>> -> memref<1x79x128xi32, #tpu.memory_space<hbm>>
      %dma_wait3A_46 = tpu.memref_squeeze %dma_wait3A_45 : memref<1x79x128xi32, #tpu.memory_space<hbm>> -> memref<79x128xi32, #tpu.memory_space<hbm>>
      tpu.wait_dma2 semaphore(%run_scoped3A : memref<!tpu.dma_semaphore, #tpu.memory_space<semaphore_mem>>) src(%dma_wait3A_46 : memref<79x128xi32, #tpu.memory_space<hbm>>) dst(%arg8 : memref<79x128xi32, #tpu.memory_space<vmem>>)
      tpu.yield
    }) : () -> ()
    %scan3A_25 = arith.constant 0 : i32
    %scan3A_26 = arith.constant 0 : i32
    %scan3A_27 = arith.constant 79 : i32
    %scan3A_28 = arith.addi %scan3A_26, %scan3A_27 : i32
    %scan3A_29 = arith.constant 1 : i32
    %scan3A_30 = scf.for %scan3A_33 = %scan3A_26 to %scan3A_28 step %scan3A_29 iter_args(%scan3A_34 = %scan3A_25) -> (i32)  : i32 {
      %dma_start3A = arith.constant 0 : i32
      %dma_start3A_35 = tpu.memref_slice %arg7[%scan3A_33, %dma_start3A] : memref<79x128xi32, #tpu.memory_space<vmem>> -> memref<1x128xi32, #tpu.memory_space<vmem>>
      %dma_start3A_36 = tpu.memref_squeeze %dma_start3A_35 : memref<1x128xi32, #tpu.memory_space<vmem>> -> memref<128xi32, #tpu.memory_space<vmem>>
      %dma_start3A_37 = arith.constant 0 : i32
      %dma_start3A_38 = arith.constant 0 : i32
      %dma_start3A_39 = tpu.memref_slice %arg2[%dma_start3A_37, %dma_start3A_38] : memref<40000x128xf32, #tpu.memory_space<hbm>> -> memref<40000x128xf32, #tpu.memory_space<hbm>>
      tpu.enqueue_indirect_dma source(%dma_start3A_39 : memref<40000x128xf32, #tpu.memory_space<hbm>>) target(%arg9 : memref<128x128xf32, #tpu.memory_space<vmem>>) offsets(%dma_start3A_36 : memref<128xi32, #tpu.memory_space<vmem>>) semaphore(%arg12 : memref<!tpu.dma_semaphore, #tpu.memory_space<semaphore_mem>>)
      %dma_wait3A = arith.constant 0 : i32
      %dma_wait3A_40 = tpu.memref_slice %arg7[%scan3A_33, %dma_wait3A] : memref<79x128xi32, #tpu.memory_space<vmem>> -> memref<1x128xi32, #tpu.memory_space<vmem>>
      %dma_wait3A_41 = tpu.memref_squeeze %dma_wait3A_40 : memref<1x128xi32, #tpu.memory_space<vmem>> -> memref<128xi32, #tpu.memory_space<vmem>>
      %dma_wait3A_42 = arith.constant 0 : i32
      %dma_wait3A_43 = arith.constant 0 : i32
      %dma_wait3A_44 = tpu.memref_slice %arg2[%dma_wait3A_42, %dma_wait3A_43] : memref<40000x128xf32, #tpu.memory_space<hbm>> -> memref<40000x128xf32, #tpu.memory_space<hbm>>
      tpu.wait_indirect_dma semaphore(%arg12 : memref<!tpu.dma_semaphore, #tpu.memory_space<semaphore_mem>>) src(%dma_wait3A_44 : memref<40000x128xf32, #tpu.memory_space<hbm>>) dst(%arg9 : memref<128x128xf32, #tpu.memory_space<vmem>>)
      "tpu.region"() ({
        %run_scoped3A = tpu.sem_alloc : memref<!tpu.dma_semaphore, #tpu.memory_space<semaphore_mem>>
        %dma_start3A_106 = arith.constant 0 : i32
        %dma_start3A_107 = tpu.memref_slice %arg8[%scan3A_33, %dma_start3A_106] : memref<79x128xi32, #tpu.memory_space<vmem>> -> memref<1x128xi32, #tpu.memory_space<vmem>>
        %dma_start3A_108 = tpu.memref_squeeze %dma_start3A_107 : memref<1x128xi32, #tpu.memory_space<vmem>> -> memref<128xi32, #tpu.memory_space<vmem>>
        %dma_start3A_109 = arith.constant 0 : i32
        %dma_start3A_110 = arith.constant 0 : i32
        %dma_start3A_111 = tpu.memref_slice %arg11[%dma_start3A_109, %dma_start3A_110] : memref<10112x128xf32, #tpu.memory_space<vmem_shared>> -> memref<10112x128xf32, #tpu.memory_space<vmem_shared>>
        tpu.enqueue_indirect_dma source(%arg9 : memref<128x128xf32, #tpu.memory_space<vmem>>) target(%dma_start3A_111 : memref<10112x128xf32, #tpu.memory_space<vmem_shared>>) offsets(%dma_start3A_108 : memref<128xi32, #tpu.memory_space<vmem>>) semaphore(%run_scoped3A : memref<!tpu.dma_semaphore, #tpu.memory_space<semaphore_mem>>) {add = true}
        %dma_wait3A_112 = arith.constant 0 : i32
        %dma_wait3A_113 = tpu.memref_slice %arg8[%scan3A_33, %dma_wait3A_112] : memref<79x128xi32, #tpu.memory_space<vmem>> -> memref<1x128xi32, #tpu.memory_space<vmem>>
        %dma_wait3A_114 = tpu.memref_squeeze %dma_wait3A_113 : memref<1x128xi32, #tpu.memory_space<vmem>> -> memref<128xi32, #tpu.memory_space<vmem>>
        %dma_wait3A_115 = arith.constant 0 : i32
        %dma_wait3A_116 = arith.constant 0 : i32
        %dma_wait3A_117 = tpu.memref_slice %arg11[%dma_wait3A_115, %dma_wait3A_116] : memref<10112x128xf32, #tpu.memory_space<vmem_shared>> -> memref<10112x128xf32, #tpu.memory_space<vmem_shared>>
        tpu.wait_indirect_dma semaphore(%run_scoped3A : memref<!tpu.dma_semaphore, #tpu.memory_space<semaphore_mem>>) src(%arg9 : memref<128x128xf32, #tpu.memory_space<vmem>>) dst(%dma_wait3A_117 : memref<10112x128xf32, #tpu.memory_space<vmem_shared>>)
        tpu.yield
      }) : () -> ()
      %get3A = arith.index_cast %scan3A_33 : i32 to index
      %get3A_45 = arith.constant 0 : index
      %get3A_46 = tpu.vector_load %arg8[%get3A, %get3A_45] {strides = array<i32>} : memref<79x128xi32, #tpu.memory_space<vmem>>, vector<16xi32>,
      %broadcast_in_dim3A = arith.constant true
      %broadcast_in_dim3A_47 = vector.broadcast %broadcast_in_dim3A : i1 to vector<16xi1>
      %unique3A, %unique3A_48 = tpu.scan_count mask(%broadcast_in_dim3A_47 : vector<16xi1>) value(%get3A_46 : vector<16xi32>) : vector<16xi1>, vector<16xi32>
      %convert_element_type3A = arith.sitofp %unique3A_48 : vector<16xi32> to vector<16xf32>
      tpu.vector_store_idx %arg10[%get3A_46], %convert_element_type3A masked %unique3A {add = true} : memref<10112xf32, #tpu.memory_space<vmem>>[vector<16xi32>], vector<16xf32>, vector<16xi1>
      %get3A_49 = arith.index_cast %scan3A_33 : i32 to index
      %get3A_50 = arith.constant 16 : index
      %get3A_51 = tpu.vector_load %arg8[%get3A_49, %get3A_50] {strides = array<i32>} : memref<79x128xi32, #tpu.memory_space<vmem>>, vector<16xi32>,
      %broadcast_in_dim3A_52 = arith.constant true
      %broadcast_in_dim3A_53 = vector.broadcast %broadcast_in_dim3A_52 : i1 to vector<16xi1>
      %unique3A_54, %unique3A_55 = tpu.scan_count mask(%broadcast_in_dim3A_53 : vector<16xi1>) value(%get3A_51 : vector<16xi32>) : vector<16xi1>, vector<16xi32>
      %convert_element_type3A_56 = arith.sitofp %unique3A_55 : vector<16xi32> to vector<16xf32>
      tpu.vector_store_idx %arg10[%get3A_51], %convert_element_type3A_56 masked %unique3A_54 {add = true} : memref<10112xf32, #tpu.memory_space<vmem>>[vector<16xi32>], vector<16xf32>, vector<16xi1>
      %get3A_57 = arith.index_cast %scan3A_33 : i32 to index
      %get3A_58 = arith.constant 32 : index
      %get3A_59 = tpu.vector_load %arg8[%get3A_57, %get3A_58] {strides = array<i32>} : memref<79x128xi32, #tpu.memory_space<vmem>>, vector<16xi32>,
      %broadcast_in_dim3A_60 = arith.constant true
      %broadcast_in_dim3A_61 = vector.broadcast %broadcast_in_dim3A_60 : i1 to vector<16xi1>
      %unique3A_62, %unique3A_63 = tpu.scan_count mask(%broadcast_in_dim3A_61 : vector<16xi1>) value(%get3A_59 : vector<16xi32>) : vector<16xi1>, vector<16xi32>
      %convert_element_type3A_64 = arith.sitofp %unique3A_63 : vector<16xi32> to vector<16xf32>
      tpu.vector_store_idx %arg10[%get3A_59], %convert_element_type3A_64 masked %unique3A_62 {add = true} : memref<10112xf32, #tpu.memory_space<vmem>>[vector<16xi32>], vector<16xf32>, vector<16xi1>
      %get3A_65 = arith.index_cast %scan3A_33 : i32 to index
      %get3A_66 = arith.constant 48 : index
      %get3A_67 = tpu.vector_load %arg8[%get3A_65, %get3A_66] {strides = array<i32>} : memref<79x128xi32, #tpu.memory_space<vmem>>, vector<16xi32>,
      %broadcast_in_dim3A_68 = arith.constant true
      %broadcast_in_dim3A_69 = vector.broadcast %broadcast_in_dim3A_68 : i1 to vector<16xi1>
      %unique3A_70, %unique3A_71 = tpu.scan_count mask(%broadcast_in_dim3A_69 : vector<16xi1>) value(%get3A_67 : vector<16xi32>) : vector<16xi1>, vector<16xi32>
      %convert_element_type3A_72 = arith.sitofp %unique3A_71 : vector<16xi32> to vector<16xf32>
      tpu.vector_store_idx %arg10[%get3A_67], %convert_element_type3A_72 masked %unique3A_70 {add = true} : memref<10112xf32, #tpu.memory_space<vmem>>[vector<16xi32>], vector<16xf32>, vector<16xi1>
      %get3A_73 = arith.index_cast %scan3A_33 : i32 to index
      %get3A_74 = arith.constant 64 : index
      %get3A_75 = tpu.vector_load %arg8[%get3A_73, %get3A_74] {strides = array<i32>} : memref<79x128xi32, #tpu.memory_space<vmem>>, vector<16xi32>,
      %broadcast_in_dim3A_76 = arith.constant true
      %broadcast_in_dim3A_77 = vector.broadcast %broadcast_in_dim3A_76 : i1 to vector<16xi1>
      %unique3A_78, %unique3A_79 = tpu.scan_count mask(%broadcast_in_dim3A_77 : vector<16xi1>) value(%get3A_75 : vector<16xi32>) : vector<16xi1>, vector<16xi32>
      %convert_element_type3A_80 = arith.sitofp %unique3A_79 : vector<16xi32> to vector<16xf32>
      tpu.vector_store_idx %arg10[%get3A_75], %convert_element_type3A_80 masked %unique3A_78 {add = true} : memref<10112xf32, #tpu.memory_space<vmem>>[vector<16xi32>], vector<16xf32>, vector<16xi1>
      %get3A_81 = arith.index_cast %scan3A_33 : i32 to index
      %get3A_82 = arith.constant 80 : index
      %get3A_83 = tpu.vector_load %arg8[%get3A_81, %get3A_82] {strides = array<i32>} : memref<79x128xi32, #tpu.memory_space<vmem>>, vector<16xi32>,
      %broadcast_in_dim3A_84 = arith.constant true
      %broadcast_in_dim3A_85 = vector.broadcast %broadcast_in_dim3A_84 : i1 to vector<16xi1>
      %unique3A_86, %unique3A_87 = tpu.scan_count mask(%broadcast_in_dim3A_85 : vector<16xi1>) value(%get3A_83 : vector<16xi32>) : vector<16xi1>, vector<16xi32>
      %convert_element_type3A_88 = arith.sitofp %unique3A_87 : vector<16xi32> to vector<16xf32>
      tpu.vector_store_idx %arg10[%get3A_83], %convert_element_type3A_88 masked %unique3A_86 {add = true} : memref<10112xf32, #tpu.memory_space<vmem>>[vector<16xi32>], vector<16xf32>, vector<16xi1>
      %get3A_89 = arith.index_cast %scan3A_33 : i32 to index
      %get3A_90 = arith.constant 96 : index
      %get3A_91 = tpu.vector_load %arg8[%get3A_89, %get3A_90] {strides = array<i32>} : memref<79x128xi32, #tpu.memory_space<vmem>>, vector<16xi32>,
      %broadcast_in_dim3A_92 = arith.constant true
      %broadcast_in_dim3A_93 = vector.broadcast %broadcast_in_dim3A_92 : i1 to vector<16xi1>
      %unique3A_94, %unique3A_95 = tpu.scan_count mask(%broadcast_in_dim3A_93 : vector<16xi1>) value(%get3A_91 : vector<16xi32>) : vector<16xi1>, vector<16xi32>
      %convert_element_type3A_96 = arith.sitofp %unique3A_95 : vector<16xi32> to vector<16xf32>
      tpu.vector_store_idx %arg10[%get3A_91], %convert_element_type3A_96 masked %unique3A_94 {add = true} : memref<10112xf32, #tpu.memory_space<vmem>>[vector<16xi32>], vector<16xf32>, vector<16xi1>
      %get3A_97 = arith.index_cast %scan3A_33 : i32 to index
      %get3A_98 = arith.constant 112 : index
      %get3A_99 = tpu.vector_load %arg8[%get3A_97, %get3A_98] {strides = array<i32>} : memref<79x128xi32, #tpu.memory_space<vmem>>, vector<16xi32>,
      %broadcast_in_dim3A_100 = arith.constant true
      %broadcast_in_dim3A_101 = vector.broadcast %broadcast_in_dim3A_100 : i1 to vector<16xi1>
      %unique3A_102, %unique3A_103 = tpu.scan_count mask(%broadcast_in_dim3A_101 : vector<16xi1>) value(%get3A_99 : vector<16xi32>) : vector<16xi1>, vector<16xi32>
      %convert_element_type3A_104 = arith.sitofp %unique3A_103 : vector<16xi32> to vector<16xf32>
      tpu.vector_store_idx %arg10[%get3A_99], %convert_element_type3A_104 masked %unique3A_102 {add = true} : memref<10112xf32, #tpu.memory_space<vmem>>[vector<16xi32>], vector<16xf32>, vector<16xi1>
      %scan3A_105 = arith.constant 0 : i32
      scf.yield %scan3A_105 : i32
    }
    %scan3A_31 = arith.constant 79 : i32
    "tpu.region"() ({
      %run_scoped3A = tpu.sem_alloc : memref<!tpu.dma_semaphore, #tpu.memory_space<semaphore_mem>>
      %dma_start3A = arith.constant 0 : i32
      %dma_start3A_33 = tpu.memref_slice %arg6[%add3A, %dma_start3A] : memref<32x10112xf32, #tpu.memory_space<hbm>> -> memref<1x10112xf32, #tpu.memory_space<hbm>>
      %dma_start3A_34 = tpu.memref_squeeze %dma_start3A_33 : memref<1x10112xf32, #tpu.memory_space<hbm>> -> memref<10112xf32, #tpu.memory_space<hbm>>
      %dma_start3A_35 = arith.constant 0 : i32
      %dma_start3A_36 = tpu.memref_slice %arg6[%add3A, %dma_start3A_35] : memref<32x10112xf32, #tpu.memory_space<hbm>> -> memref<1x10112xf32, #tpu.memory_space<hbm>>
      %dma_start3A_37 = tpu.memref_squeeze %dma_start3A_36 : memref<1x10112xf32, #tpu.memory_space<hbm>> -> memref<10112xf32, #tpu.memory_space<hbm>>
      tpu.enqueue_dma source(%arg10 : memref<10112xf32, #tpu.memory_space<vmem>>) target(%dma_start3A_37 : memref<10112xf32, #tpu.memory_space<hbm>>) target_semaphore(%run_scoped3A : memref<!tpu.dma_semaphore, #tpu.memory_space<semaphore_mem>>)
      %dma_wait3A = arith.constant 0 : i32
      %dma_wait3A_38 = tpu.memref_slice %arg6[%add3A, %dma_wait3A] : memref<32x10112xf32, #tpu.memory_space<hbm>> -> memref<1x10112xf32, #tpu.memory_space<hbm>>
      %dma_wait3A_39 = tpu.memref_squeeze %dma_wait3A_38 : memref<1x10112xf32, #tpu.memory_space<hbm>> -> memref<10112xf32, #tpu.memory_space<hbm>>
      %dma_wait3A_40 = arith.constant 0 : i32
      %dma_wait3A_41 = tpu.memref_slice %arg6[%add3A, %dma_wait3A_40] : memref<32x10112xf32, #tpu.memory_space<hbm>> -> memref<1x10112xf32, #tpu.memory_space<hbm>>
      %dma_wait3A_42 = tpu.memref_squeeze %dma_wait3A_41 : memref<1x10112xf32, #tpu.memory_space<hbm>> -> memref<10112xf32, #tpu.memory_space<hbm>>
      tpu.wait_dma2 semaphore(%run_scoped3A : memref<!tpu.dma_semaphore, #tpu.memory_space<semaphore_mem>>) src(%arg10 : memref<10112xf32, #tpu.memory_space<vmem>>) dst(%dma_wait3A_42 : memref<10112xf32, #tpu.memory_space<hbm>>)
      tpu.yield
    }) : () -> ()
    %barrier3A_32 = arith.constant 0 : index
    tpu.barrier barrier_id(%barrier3A_32)
    "tpu.region"() ({
      %run_scoped3A = tpu.sem_alloc : memref<!tpu.dma_semaphore, #tpu.memory_space<semaphore_mem>>
      %dma_start3A = arith.constant 0 : i32
      %dma_start3A_33 = tpu.memref_slice %arg5[%arg0, %mul3A_15, %dma_start3A] : memref<2x10112x128xf32, #tpu.memory_space<hbm>> -> memref<1x632x128xf32, #tpu.memory_space<hbm>>
      %dma_start3A_34 = tpu.memref_squeeze %dma_start3A_33 : memref<1x632x128xf32, #tpu.memory_space<hbm>> -> memref<632x128xf32, #tpu.memory_space<hbm>>
      %dma_start3A_35 = arith.constant 0 : i32
      %dma_start3A_36 = tpu.memref_slice %arg11[%mul3A_15, %dma_start3A_35] : memref<10112x128xf32, #tpu.memory_space<vmem_shared>> -> memref<632x128xf32, #tpu.memory_space<vmem_shared>>
      tpu.enqueue_dma source(%dma_start3A_36 : memref<632x128xf32, #tpu.memory_space<vmem_shared>>) target(%dma_start3A_34 : memref<632x128xf32, #tpu.memory_space<hbm>>) target_semaphore(%run_scoped3A : memref<!tpu.dma_semaphore, #tpu.memory_space<semaphore_mem>>)
      %dma_wait3A = arith.constant 0 : i32
      %dma_wait3A_37 = tpu.memref_slice %arg5[%arg0, %mul3A_15, %dma_wait3A] : memref<2x10112x128xf32, #tpu.memory_space<hbm>> -> memref<1x632x128xf32, #tpu.memory_space<hbm>>
      %dma_wait3A_38 = tpu.memref_squeeze %dma_wait3A_37 : memref<1x632x128xf32, #tpu.memory_space<hbm>> -> memref<632x128xf32, #tpu.memory_space<hbm>>
      %dma_wait3A_39 = arith.constant 0 : i32
      %dma_wait3A_40 = tpu.memref_slice %arg11[%mul3A_15, %dma_wait3A_39] : memref<10112x128xf32, #tpu.memory_space<vmem_shared>> -> memref<632x128xf32, #tpu.memory_space<vmem_shared>>
      tpu.wait_dma2 semaphore(%run_scoped3A : memref<!tpu.dma_semaphore, #tpu.memory_space<semaphore_mem>>) src(%dma_wait3A_40 : memref<632x128xf32, #tpu.memory_space<vmem_shared>>) dst(%dma_wait3A_38 : memref<632x128xf32, #tpu.memory_space<hbm>>)
      tpu.yield
    }) : () -> ()
    return
  }
}

module attributes {stable_mosaic.version = 14 : i64} {
  func.func @_idx_body(%arg0: memref<2528x128xi32, #tpu.memory_space<vmem>>, %arg1: memref<2528x128xi32, #tpu.memory_space<vmem>>, %arg2: memref<2528x128xi32, #tpu.memory_space<vmem>>) attributes {dimension_semantics = [], scalar_prefetch = 0 : i64, scratch_operands = 0 : i64, tpu.core_type = #tpu.core_type<tc>} {
    %get3A = arith.constant 0 : index
    %get3A_0 = arith.constant 0 : index
    %get3A_1 = vector.load %arg0[%get3A, %get3A_0] : memref<2528x128xi32, #tpu.memory_space<vmem>>, vector<2528x128xi32>
    %mul3A = arith.constant 10000 : i32
    %mul3A_2 = vector.broadcast %mul3A : i32 to vector<2528x128xi32>
    %mul3A_3 = arith.muli %get3A_1, %mul3A_2 : vector<2528x128xi32>
    %get3A_4 = arith.constant 0 : index
    %get3A_5 = arith.constant 0 : index
    %get3A_6 = vector.load %arg1[%get3A_4, %get3A_5] : memref<2528x128xi32, #tpu.memory_space<vmem>>, vector<2528x128xi32>
    %add3A = arith.addi %mul3A_3, %get3A_6 : vector<2528x128xi32>
    %swap3A = arith.constant 0 : index
    %swap3A_7 = arith.constant 0 : index
    %swap3A_8 = vector.load %arg2[%swap3A, %swap3A_7] : memref<2528x128xi32, #tpu.memory_space<vmem>>, vector<2528x128xi32>
    tpu.vector_store %arg2[%swap3A, %swap3A_7], %add3A {strides = array<i32>} : memref<2528x128xi32, #tpu.memory_space<vmem>>, vector<2528x128xi32>,
    return
  }
}

module attributes {stable_mosaic.version = 14 : i64} {
  func.func @_transform_body(%arg0: i32, %arg1: i32, %arg2: memref<2000x128xf32, #tpu.memory_space<vmem>>, %arg3: memref<1x128x128xf32, #tpu.memory_space<vmem>>, %arg4: memref<1x2000x128xf32, #tpu.memory_space<vmem>>) attributes {dimension_semantics = [#tpu.dimension_semantics<arbitrary>, #tpu.dimension_semantics<arbitrary>], iteration_bounds = array<i64: 4, 5>, scalar_prefetch = 0 : i64, scratch_operands = 0 : i64, tpu.core_type = #tpu.core_type<tc>, window_params = [{transform_indices = @transform_0, window_bounds = array<i64: 2000, 128>}, {transform_indices = @transform_1, window_bounds = array<i64: 1, 128, 128>}, {transform_indices = @transform_2, window_bounds = array<i64: 1, 2000, 128>}]} {
    %get3A = arith.constant 0 : index
    %get3A_0 = arith.constant 0 : index
    %get3A_1 = vector.load %arg2[%get3A, %get3A_0] : memref<2000x128xf32, #tpu.memory_space<vmem>>, vector<2000x128xf32>
    %get3A_2 = arith.constant 0 : index
    %get3A_3 = arith.constant 0 : index
    %get3A_4 = arith.constant 0 : index
    %get3A_5 = vector.load %arg3[%get3A_2, %get3A_3, %get3A_4] : memref<1x128x128xf32, #tpu.memory_space<vmem>>, vector<1x128x128xf32>
    %get3A_6 = vector.shape_cast %get3A_5 : vector<1x128x128xf32> to vector<128x128xf32>
    %dot_general3A = arith.constant dense<0.000000e+00> : vector<2000x128xf32>
    %dot_general3A_7 = tpu.matmul %get3A_1, %get3A_6, %dot_general3A {dimension_numbers = #tpu.dot_dimension_numbers<[1], [0], [0], [1], [0, 0, 1, 1], [], []>, transpose_lhs_hint = false} : vector<2000x128xf32>, vector<128x128xf32>, vector<2000x128xf32> -> vector<2000x128xf32>
    %swap3A = arith.constant 0 : index
    %swap3A_8 = arith.constant 0 : index
    %swap3A_9 = arith.constant 0 : index
    %swap3A_10 = vector.load %arg4[%swap3A, %swap3A_8, %swap3A_9] : memref<1x2000x128xf32, #tpu.memory_space<vmem>>, vector<1x2000x128xf32>
    %swap3A_11 = vector.shape_cast %swap3A_10 : vector<1x2000x128xf32> to vector<2000x128xf32>
    %swap3A_12 = vector.shape_cast %dot_general3A_7 : vector<2000x128xf32> to vector<1x2000x128xf32>
    tpu.vector_store %arg4[%swap3A, %swap3A_8, %swap3A_9], %swap3A_12 {strides = array<i32>} : memref<1x2000x128xf32, #tpu.memory_space<vmem>>, vector<1x2000x128xf32>,
    return
  }
  func.func @transform_0(%arg0: i32, %arg1: i32) -> (i32, i32) {
    %c0_i32 = arith.constant 0 : i32
    %c0_i32_0 = arith.constant 0 : i32
    return %arg1, %c0_i32 : i32, i32
  }
  func.func @transform_1(%arg0: i32, %arg1: i32) -> (i32, i32, i32) {
    %c0_i32 = arith.constant 0 : i32
    %c0_i32_0 = arith.constant 0 : i32
    %c0_i32_1 = arith.constant 0 : i32
    return %arg0, %c0_i32, %c0_i32_0 : i32, i32, i32
  }
  func.func @transform_2(%arg0: i32, %arg1: i32) -> (i32, i32, i32) {
    %c0_i32 = arith.constant 0 : i32
    %c0_i32_0 = arith.constant 0 : i32
    return %arg0, %arg1, %c0_i32 : i32, i32, i32
  }
}

module attributes {stable_mosaic.version = 14 : i64} {
  func.func @_finalize_body(%arg0: i32, %arg1: memref<2x2000x128xf32, #tpu.memory_space<vmem>>, %arg2: memref<2000x32xf32, #tpu.memory_space<vmem>>, %arg3: memref<2000x128xf32, #tpu.memory_space<vmem>>, %arg4: memref<3x128x128xf32, #tpu.memory_space<vmem>>, %arg5: memref<256x128xf32, #tpu.memory_space<vmem>>, %arg6: memref<1x128xf32, #tpu.memory_space<vmem>>, %arg7: memref<2000x128xf32, #tpu.memory_space<vmem>>) attributes {dimension_semantics = [#tpu.dimension_semantics<arbitrary>], iteration_bounds = array<i64: 5>, scalar_prefetch = 0 : i64, scratch_operands = 0 : i64, tpu.core_type = #tpu.core_type<tc>, window_params = [{transform_indices = @transform_0, window_bounds = array<i64: 2, 2000, 128>}, {transform_indices = @transform_1, window_bounds = array<i64: 2000, 32>}, {transform_indices = @transform_2, window_bounds = array<i64: 2000, 128>}, {pipeline_mode = #tpu.pipeline_mode<synchronous>, transform_indices = @transform_3, window_bounds = array<i64: 3, 128, 128>}, {pipeline_mode = #tpu.pipeline_mode<synchronous>, transform_indices = @transform_4, window_bounds = array<i64: 256, 128>}, {pipeline_mode = #tpu.pipeline_mode<synchronous>, transform_indices = @transform_5, window_bounds = array<i64: 1, 128>}, {transform_indices = @transform_6, window_bounds = array<i64: 2000, 128>}]} {
    %get3A = arith.constant 0 : index
    %get3A_0 = arith.constant 0 : index
    %get3A_1 = arith.constant 0 : index
    %get3A_2 = vector.load %arg1[%get3A, %get3A_0, %get3A_1] : memref<2x2000x128xf32, #tpu.memory_space<vmem>>, vector<1x2000x128xf32>
    %get3A_3 = vector.shape_cast %get3A_2 : vector<1x2000x128xf32> to vector<2000x128xf32>
    %get3A_4 = arith.constant 1 : index
    %get3A_5 = arith.constant 0 : index
    %get3A_6 = arith.constant 0 : index
    %get3A_7 = vector.load %arg1[%get3A_4, %get3A_5, %get3A_6] : memref<2x2000x128xf32, #tpu.memory_space<vmem>>, vector<1x2000x128xf32>
    %get3A_8 = vector.shape_cast %get3A_7 : vector<1x2000x128xf32> to vector<2000x128xf32>
    %add3A = arith.addf %get3A_3, %get3A_8 : vector<2000x128xf32>
    %get3A_9 = arith.constant 0 : index
    %get3A_10 = arith.constant 0 : index
    %get3A_11 = vector.load %arg2[%get3A_9, %get3A_10] : memref<2000x32xf32, #tpu.memory_space<vmem>>, vector<2000x32xf32>
    %reduce_sum3A = arith.constant dense<0.000000e+00> : vector<2000xf32>
    %reduce_sum3A_12 = vector.multi_reduction <add>, %get3A_11, %reduce_sum3A [1] : vector<2000x32xf32> to vector<2000xf32>
    %broadcast_in_dim3A = vector.shape_cast %reduce_sum3A_12 : vector<2000xf32> to vector<2000x1xf32>
    %max3A = arith.constant 1.000000e+00 : f32
    %max3A_13 = vector.broadcast %max3A : f32 to vector<2000x1xf32>
    %max3A_14 = arith.maximumf %broadcast_in_dim3A, %max3A_13 : vector<2000x1xf32>
    %div3A = vector.broadcast %max3A_14 : vector<2000x1xf32> to vector<2000x128xf32>
    %div3A_15 = arith.divf %add3A, %div3A : vector<2000x128xf32>
    %get3A_16 = arith.constant 0 : index
    %get3A_17 = arith.constant 0 : index
    %get3A_18 = vector.load %arg3[%get3A_16, %get3A_17] : memref<2000x128xf32, #tpu.memory_space<vmem>>, vector<2000x128xf32>
    %get3A_19 = arith.constant 0 : index
    %get3A_20 = arith.constant 0 : index
    %get3A_21 = arith.constant 0 : index
    %get3A_22 = vector.load %arg4[%get3A_19, %get3A_20, %get3A_21] : memref<3x128x128xf32, #tpu.memory_space<vmem>>, vector<1x128x128xf32>
    %get3A_23 = vector.shape_cast %get3A_22 : vector<1x128x128xf32> to vector<128x128xf32>
    %dot_general3A = arith.constant dense<0.000000e+00> : vector<2000x128xf32>
    %dot_general3A_24 = tpu.matmul %get3A_18, %get3A_23, %dot_general3A {dimension_numbers = #tpu.dot_dimension_numbers<[1], [0], [0], [1], [0, 0, 1, 1], [], []>, transpose_lhs_hint = false} : vector<2000x128xf32>, vector<128x128xf32>, vector<2000x128xf32> -> vector<2000x128xf32>
    %get3A_25 = arith.constant 1 : index
    %get3A_26 = arith.constant 0 : index
    %get3A_27 = arith.constant 0 : index
    %get3A_28 = vector.load %arg4[%get3A_25, %get3A_26, %get3A_27] : memref<3x128x128xf32, #tpu.memory_space<vmem>>, vector<1x128x128xf32>
    %get3A_29 = vector.shape_cast %get3A_28 : vector<1x128x128xf32> to vector<128x128xf32>
    %dot_general3A_30 = arith.constant dense<0.000000e+00> : vector<2000x128xf32>
    %dot_general3A_31 = tpu.matmul %get3A_18, %get3A_29, %dot_general3A_30 {dimension_numbers = #tpu.dot_dimension_numbers<[1], [0], [0], [1], [0, 0, 1, 1], [], []>, transpose_lhs_hint = false} : vector<2000x128xf32>, vector<128x128xf32>, vector<2000x128xf32> -> vector<2000x128xf32>
    %get3A_32 = arith.constant 2 : index
    %get3A_33 = arith.constant 0 : index
    %get3A_34 = arith.constant 0 : index
    %get3A_35 = vector.load %arg4[%get3A_32, %get3A_33, %get3A_34] : memref<3x128x128xf32, #tpu.memory_space<vmem>>, vector<1x128x128xf32>
    %get3A_36 = vector.shape_cast %get3A_35 : vector<1x128x128xf32> to vector<128x128xf32>
    %dot_general3A_37 = arith.constant dense<0.000000e+00> : vector<2000x128xf32>
    %dot_general3A_38 = tpu.matmul %get3A_18, %get3A_36, %dot_general3A_37 {dimension_numbers = #tpu.dot_dimension_numbers<[1], [0], [0], [1], [0, 0, 1, 1], [], []>, transpose_lhs_hint = false} : vector<2000x128xf32>, vector<128x128xf32>, vector<2000x128xf32> -> vector<2000x128xf32>
    %mul3A = arith.constant 2000 : i32
    %mul3A_39 = arith.muli %arg0, %mul3A : i32
    %iota3A = tpu.iota {dimensions = array<i32: 0>} : vector<2000x1xi32>
    %add3A_40 = vector.broadcast %mul3A_39 : i32 to vector<2000x1xi32>
    %add3A_41 = arith.addi %add3A_40, %iota3A : vector<2000x1xi32>
    %lt3A = arith.constant 5000 : i32
    %lt3A_42 = vector.broadcast %lt3A : i32 to vector<2000x1xi32>
    %lt3A_43 = arith.cmpi slt, %add3A_41, %lt3A_42 : vector<2000x1xi32>
    %lt3A_44 = arith.constant 7500 : i32
    %lt3A_45 = vector.broadcast %lt3A_44 : i32 to vector<2000x1xi32>
    %lt3A_46 = arith.cmpi slt, %add3A_41, %lt3A_45 : vector<2000x1xi32>
    %broadcast_in_dim3A_47 = vector.shape_cast %lt3A_46 : vector<2000x1xi1> to vector<2000x1xi1>
    %broadcast_in_dim3A_48 = vector.broadcast %broadcast_in_dim3A_47 : vector<2000x1xi1> to vector<2000x128xi1>
    %select_n3A = arith.select %broadcast_in_dim3A_48, %dot_general3A_31, %dot_general3A_38 : vector<2000x128xi1>, vector<2000x128xf32>
    %broadcast_in_dim3A_49 = vector.shape_cast %lt3A_43 : vector<2000x1xi1> to vector<2000x1xi1>
    %broadcast_in_dim3A_50 = vector.broadcast %broadcast_in_dim3A_49 : vector<2000x1xi1> to vector<2000x128xi1>
    %select_n3A_51 = arith.select %broadcast_in_dim3A_50, %dot_general3A_24, %select_n3A : vector<2000x128xi1>, vector<2000x128xf32>
    %add3A_52 = arith.addf %select_n3A_51, %div3A_15 : vector<2000x128xf32>
    %max3A_53 = arith.constant 0.000000e+00 : f32
    %max3A_54 = vector.broadcast %max3A_53 : f32 to vector<2000x128xf32>
    %max3A_55 = arith.maximumf %add3A_52, %max3A_54 : vector<2000x128xf32>
    %get3A_56 = arith.constant 0 : index
    %get3A_57 = arith.constant 0 : index
    %get3A_58 = vector.load %arg5[%get3A_56, %get3A_57] : memref<256x128xf32, #tpu.memory_space<vmem>>, vector<128x128xf32>
    %dot_general3A_59 = arith.constant dense<0.000000e+00> : vector<2000x128xf32>
    %dot_general3A_60 = tpu.matmul %max3A_55, %get3A_58, %dot_general3A_59 {dimension_numbers = #tpu.dot_dimension_numbers<[1], [0], [0], [1], [0, 0, 1, 1], [], []>, transpose_lhs_hint = false} : vector<2000x128xf32>, vector<128x128xf32>, vector<2000x128xf32> -> vector<2000x128xf32>
    %get3A_61 = arith.constant 128 : index
    %get3A_62 = arith.constant 0 : index
    %get3A_63 = vector.load %arg5[%get3A_61, %get3A_62] : memref<256x128xf32, #tpu.memory_space<vmem>>, vector<128x128xf32>
    %dot_general3A_64 = arith.constant dense<0.000000e+00> : vector<2000x128xf32>
    %dot_general3A_65 = tpu.matmul %div3A_15, %get3A_63, %dot_general3A_64 {dimension_numbers = #tpu.dot_dimension_numbers<[1], [0], [0], [1], [0, 0, 1, 1], [], []>, transpose_lhs_hint = false} : vector<2000x128xf32>, vector<128x128xf32>, vector<2000x128xf32> -> vector<2000x128xf32>
    %add3A_66 = arith.addf %dot_general3A_60, %dot_general3A_65 : vector<2000x128xf32>
    %get3A_67 = arith.constant 0 : index
    %get3A_68 = arith.constant 0 : index
    %get3A_69 = vector.load %arg6[%get3A_67, %get3A_68] : memref<1x128xf32, #tpu.memory_space<vmem>>, vector<1x128xf32>
    %add3A_70 = vector.broadcast %get3A_69 : vector<1x128xf32> to vector<2000x128xf32>
    %add3A_71 = arith.addf %add3A_66, %add3A_70 : vector<2000x128xf32>
    %max3A_72 = arith.constant 0.000000e+00 : f32
    %max3A_73 = vector.broadcast %max3A_72 : f32 to vector<2000x128xf32>
    %max3A_74 = arith.maximumf %add3A_71, %max3A_73 : vector<2000x128xf32>
    %swap3A = arith.constant 0 : index
    %swap3A_75 = arith.constant 0 : index
    %swap3A_76 = vector.load %arg7[%swap3A, %swap3A_75] : memref<2000x128xf32, #tpu.memory_space<vmem>>, vector<2000x128xf32>
    tpu.vector_store %arg7[%swap3A, %swap3A_75], %max3A_74 {strides = array<i32>} : memref<2000x128xf32, #tpu.memory_space<vmem>>, vector<2000x128xf32>,
    return
  }
  func.func @transform_0(%arg0: i32) -> (i32, i32, i32) {
    %c0_i32 = arith.constant 0 : i32
    %c0_i32_0 = arith.constant 0 : i32
    %c0_i32_1 = arith.constant 0 : i32
    return %c0_i32, %arg0, %c0_i32_0 : i32, i32, i32
  }
  func.func @transform_1(%arg0: i32) -> (i32, i32) {
    %c0_i32 = arith.constant 0 : i32
    %c0_i32_0 = arith.constant 0 : i32
    return %arg0, %c0_i32 : i32, i32
  }
  func.func @transform_2(%arg0: i32) -> (i32, i32) {
    %c0_i32 = arith.constant 0 : i32
    %c0_i32_0 = arith.constant 0 : i32
    return %arg0, %c0_i32 : i32, i32
  }
  func.func @transform_3(%arg0: i32) -> (i32, i32, i32) {
    %c0_i32 = arith.constant 0 : i32
    %c0_i32_0 = arith.constant 0 : i32
    %c0_i32_1 = arith.constant 0 : i32
    %c0_i32_2 = arith.constant 0 : i32
    return %c0_i32, %c0_i32_0, %c0_i32_1 : i32, i32, i32
  }
  func.func @transform_4(%arg0: i32) -> (i32, i32) {
    %c0_i32 = arith.constant 0 : i32
    %c0_i32_0 = arith.constant 0 : i32
    %c0_i32_1 = arith.constant 0 : i32
    return %c0_i32, %c0_i32_0 : i32, i32
  }
  func.func @transform_5(%arg0: i32) -> (i32, i32) {
    %c0_i32 = arith.constant 0 : i32
    %c0_i32_0 = arith.constant 0 : i32
    %c0_i32_1 = arith.constant 0 : i32
    return %c0_i32, %c0_i32_0 : i32, i32
  }
  func.func @transform_6(%arg0: i32) -> (i32, i32) {
    %c0_i32 = arith.constant 0 : i32
    %c0_i32_0 = arith.constant 0 : i32
    return %arg0, %c0_i32 : i32, i32
  }
}

</mosaic_0001>

<sc_bundles>
// kernel: kernel.6.cloned.1.call-start
scs
__scs_entry_jumppad:
0x0: {  	(pc) =	sbr.rel $0x88, $3  }
0x1: {  	(tag) =	ssettag $0x0;
	lr =	simm.s32 $0x1  }
0x2: {  	[smem:$0x3F9A] =	sst lr;
	_ =	strace $0xD0000000  }
0x3: {  	_ = 	snop  }
0x4: {  	_ = 	snop  }
0x5: {  	_ = 	snop  }
0x6: {  	_ = 	snop  }
0x7: {  	_ = 	snop  }
__scs_overlays_trampoline_lowered:
0x8: {  	[smem:$0x3FA9] =	sst s0  }
0x9: {  	[smem:$0x3FAA] =	sst s1  }
0xa: {  	[smem:$0x3FAB] =	sst s2  }
0xb: {  	[smem:$0x3FAC] =	sst s3  }
0xc: {  	[smem:$0x3FAD] =	sst s4  }
0xd: {  	[smem:$0x3FAE] =	sst s5  }
0xe: {  	[smem:$0x3FAF] =	sst s6  }
0xf: {  	[smem:$0x3FB0] =	sst s7  }
0x10: {  	[smem:$0x3FB1] =	sst s8  }
0x11: {  	[smem:$0x3FB2] =	sst s9;
	s0 =	simm.s32 @!p0 $0x0  }
0x12: {  	s1 =	sld [smem:$0x3F98];
	s0 =	simm.s32 @p0 $0x1  }
0x13: {  	[smem:$0x3FB3] =	sst s0;
	s0 =	simm.s32 @!p1 $0x0  }
0x14: {  	s2 =	sld [smem:$0x3F97];
	s0 =	simm.s32 @p1 $0x1  }
0x15: {  	[smem:$0x3FB4] =	sst s0;
	s0 =	simm.s32 @!p2 $0x0  }
0x16: {  	s3 =	sld [smem:$0x3FDB];
	s0 =	simm.s32 @p2 $0x1  }
0x17: {  	s4 =	simm.s32 $0x1BF5;
	[smem:$0x3FB6] =	sst s0  }
0x18: {  	s0 =	sld [smem:$0x3F99];
	_ =	swait.ge [sflag:s4], $0x0  }
0x19: {  	s7 =	sld [smem:$0x3F9A]  }
0x1a: {  	s8 =	sadd.s32 $0xFFFFE003, lr  }
0x1b: {  	s9 =	sadd.s32 $0xFFFFFEF7, lr;
	s5 =	simm.s32 $0xFFFFFFFF;
	p2 =	slt.u32 s8, $0xFFFFF086  }
0x1c: {  	p1 =	slt.u32 s9, $0xF7A;
	s5 =	simm.s32 @!p2 $0x0  }
0x1d: {  	s5 =	simm.s32 @p1 $0x1;
	p0 =	seq.s32 s7, s2  }
0x1e: {  	s7 =	smul.u32 @!p0 $0xF7A, s2;
	p2 =	seq.s32 @!p0 s5, $0x0  }
0x1f: {  	s9 =	smul.u32 $0xF7A, s1;
	s8 =	simm.s32 @!p0 $0x1BF5;
	p2 =	por !p2, p0  }
0x20: {  	[sflag:s8] =	ssyncset.s32 @!p0 $0xFFFFF086;
	s6 =	sadd.s32 @!p0 s3, s7;
	s7 =	simm.s32 @!p0 $0x108  }
0x21: {  	s3 =	sadd.s32 s3, s9;
	s6 =	sadd.s32 @!p0 $0x88, s6;
	s7 =	simm.s32 @p2 $0x1082  }
0x22: {  	[simem:s7], [sflag:s8] =	dma.local @!p0 [hbm:s6], $0xF7A  }
0x23: {  	s9 =	sor.u32 $0xD0000000, s2;
	s6 =	simm.s32 $0x108;
	_ =	swait.ge @!p0 [sflag:s8], $0x0  }
0x24: {  	s3 =	sadd.s32 $0x88, s3;
	s6 =	simm.s32 @!p1 $0x1082;
	[sflag:s4] =	ssyncset.s32 $0xFFFFF086  }
0x25: {  	[simem:s6], [sflag:s4] =	dma.local [hbm:s3], $0xF7A  }
0x26: {  	[smem:$0x3F9A] =	sst s1;
	(tag) =	ssettag s2;
	_ =	strace s9  }
0x27: {  	s1 =	sld [smem:$0x3FAA]  }
0x28: {  	s2 =	sld [smem:$0x3FAB]  }
0x29: {  	s4 =	sld [smem:$0x3FAD]  }
0x2a: {  	p0 =	seq.s32 s5, $0x0;
	s5 =	sld [smem:$0x3FAE]  }
0x2b: {  	s6 =	sld [smem:$0x3FAF]  }
0x2c: {  	s7 =	sld [smem:$0x3FB0]  }
0x2d: {  	s3 =	simm.s32 $0x108;
	s8 =	sld [smem:$0x3FB1]  }
0x2e: {  	s3 =	simm.s32 @!p0 $0x1082;
	s9 =	sld [smem:$0x3FB2]  }
0x2f: {  	lr =	sadd.s32 s0, s3;
	s0 =	sld [smem:$0x3FA9]  }
0x30: {  	s3 =	sld [smem:$0x3FAC]  }
0x31: {  	[smem:$0x3FB5] =	sst s10  }
0x32: {  	s10 =	sld [smem:$0x3FB3];
	_ =	sdelay $0x3  }
0x33: {  	p0 =	seq.s32 s10, $0x1;
	s10 =	sld [smem:$0x3FB5];
	_ =	sdelay $0x3  }
0x34: {  	[smem:$0x3FB5] =	sst s10  }
0x35: {  	s10 =	sld [smem:$0x3FB4];
	_ =	sdelay $0x3  }
0x36: {  	p1 =	seq.s32 s10, $0x1;
	s10 =	sld [smem:$0x3FB5];
	_ =	sdelay $0x3  }
0x37: {  	[smem:$0x3FB5] =	sst s10  }
0x38: {  	s10 =	sld [smem:$0x3FB6]  }
0x39: {  	_ = 	snop;
	(pc) =	sbr.ind lr, $3  }
0x3a: {  	_ = 	snop  }
0x3b: {  	_ = 	snop  }
0x3c: {  	p2 =	seq.s32 s10, $0x1;
	s10 =	sld [smem:$0x3FB5]  }
0x3d: {  	_ =	shalt  }
0x3e: {  	_ =	shalt  }
0x3f: {  	_ =	shalt  }
0x40: {  	_ =	shalt  }
0x41: {  	_ =	shalt  }
0x42: {  	_ =	shalt  }
0x43: {  	_ =	shalt  }
0x44: {  	_ =	shalt  }
0x45: {  	_ =	shalt  }
0x46: {  	_ =	shalt  }
0x47: {  	_ =	shalt  }
0x48: {  	_ =	shalt  }
0x49: {  	_ =	shalt  }
0x4a: {  	_ =	shalt  }
0x4b: {  	_ =	shalt  }
0x4c: {  	_ =	shalt  }
0x4d: {  	_ =	shalt  }
0x4e: {  	_ =	shalt  }
0x4f: {  	_ =	shalt  }
0x50: {  	_ =	shalt  }
0x51: {  	_ =	shalt  }
0x52: {  	_ =	shalt  }
0x53: {  	_ =	shalt  }
0x54: {  	_ =	shalt  }
0x55: {  	_ =	shalt  }
0x56: {  	_ =	shalt  }
0x57: {  	_ =	shalt  }
0x58: {  	_ =	shalt  }
0x59: {  	_ =	shalt  }
0x5a: {  	_ =	shalt  }
0x5b: {  	_ =	shalt  }
0x5c: {  	_ =	shalt  }
0x5d: {  	_ =	shalt  }
0x5e: {  	_ =	shalt  }
0x5f: {  	_ =	shalt  }
0x60: {  	_ =	shalt  }
0x61: {  	_ =	shalt  }
0x62: {  	_ =	shalt  }
0x63: {  	_ =	shalt  }
0x64: {  	_ =	shalt  }
0x65: {  	_ =	shalt  }
0x66: {  	_ =	shalt  }
0x67: {  	_ =	shalt  }
0x68: {  	_ =	shalt  }
0x69: {  	_ =	shalt  }
0x6a: {  	_ =	shalt  }
0x6b: {  	_ =	shalt  }
0x6c: {  	_ =	shalt  }
0x6d: {  	_ =	shalt  }
0x6e: {  	_ =	shalt  }
0x6f: {  	_ =	shalt  }
0x70: {  	_ =	shalt  }
0x71: {  	_ =	shalt  }
0x72: {  	_ =	shalt  }
0x73: {  	_ =	shalt  }
0x74: {  	_ =	shalt  }
0x75: {  	_ =	shalt  }
0x76: {  	_ =	shalt  }
0x77: {  	_ =	shalt  }
0x78: {  	_ =	shalt  }
0x79: {  	_ =	shalt  }
0x7a: {  	_ =	shalt  }
0x7b: {  	_ =	shalt  }
0x7c: {  	_ =	shalt  }
0x7d: {  	_ =	shalt  }
0x7e: {  	_ =	shalt  }
0x7f: {  	_ =	shalt  }
0x80: {  	_ =	shalt  }
0x81: {  	_ =	shalt  }
0x82: {  	_ =	shalt  }
0x83: {  	_ =	shalt  }
0x84: {  	_ =	shalt  }
0x85: {  	_ =	shalt  }
0x86: {  	_ =	shalt  }
0x87: {  	_ =	shalt  }
.Lfunc_end0:
.L_simem_size_0:
called_computation_lowered:
.L_overlay_start_0:
0x88: {  	s2 =	sld [smem:$0x3FD9]  }
0x89: {  	s3 =	sld [smem:$0x3FFE];
	_ =	sdelay $0x1  }
0x8a: {  	s1 =	srdreg.scid  }
0x8b: {  	s0 =	sand.u32 $0x1, s1  }
0x8c: {  	s17 =	sshll.u32 s0, $0xA;
	s2 =	sadd.s32 s3, s2  }
0x8d: {  	s2 =	sadd.s32 s2, s17  }
0x8e: {  	[smem:$0x3FC1] =	sst s2  }
0x8f: {  	_ = 	snop  }
0x90: {  	s2 =	sld [smem:$0x3FD0];
	(tm) =	ssettm $0x1  }
0x91: {  	s18 =	sld [smem:$0x3FFB];
	_ =	sdelay $0x3  }
0x92: {  	_ =	strace s18  }
0x93: {  	s3 =	sld [smem:$0x3FFC];
	_ =	sdelay $0x3  }
0x94: {  	_ =	strace s3  }
0x95: {  	s3 =	sld [smem:$0x3FFD];
	_ =	sdelay $0x3  }
0x96: {  	_ =	strace s3  }
0x97: {  	_ =	strace $0x8FFFFFFF  }
0x98: {  	s19 =	sld [smem:$0x3FDB];
	_ =	sdelay $0x1  }
0x99: {  	s4 =	simm.s32 $_scs_section_size  }
0x9a: {  	s5 =	simm.s32 $_size__tile_overlayer_lowered;
	s6 =	simm.s32 $_tile_overlayer_lowered  }
0x9b: {  	s22 =	simm.s32 $0x1BFF;
	s21 =	sshll.u32 s6, $0x1;
	s3 =	sadd.s32 s4, s19  }
0x9c: {  	s7 =	simm.s32 $0x0;
	s20 =	sshll.u32 s5, $0x1;
	s5 =	sadd.s32 s21, s3  }
0x9d: {  	[timem:s7], [sflag:s22] =	dma.local [hbm:s5], s20  }
0x9e: {  	_ =	swait.ge [sflag:s22], s20  }
0x9f: {  	s4 =	ssub.s32 $0x0, s20;
	[sflag:s22] =	ssyncset.done $0x0  }
0xa0: {  	[sflag:s22] =	ssyncadd.s32 s4;
	_ =	sdelay $0x1  }
0xa1: {  	s23 =	simm.s32 $0x1B8B  }
0xa2: {  	_ =	swait.ge [sflag:s23], $0x1  }
0xa3: {  	[sflag:s23] =	ssyncset.done $0x0  }
0xa4: {  	s25 =	simm.s32 $0x1B8E;
	s24 =	sld [smem:$0x3FFE];
	[sflag:s23] =	ssyncadd.s32 $0xFFFFFFFF  }
0xa5: {  	s26 =	simm.s32 $execute0_lowered;
	[smem:$0x3FD2] =	sst s25  }
0xa6: {  	s5 =	sshll.u32 s26, $0x1;
	_ =	strace $0x80000046;
	[dreg:$0x1] =	wrdreg $0xFFFFFFFF  }
0xa7: {  	s28 =	simm.s32 $_size_execute0_lowered;
	s3 =	sadd.s32 s3, s5;
	[dreg:$0x0] =	wrdreg $0x0  }
0xa8: {  	s5 =	sshll.u32 s28, $0x1;
	[dreg:$0x2] =	wrdreg s3  }
0xa9: {  	[dreg:$0x3] =	wrdreg s5  }
0xaa: {  	[dreg:$0x4] =	wrdreg $0xC0  }
0xab: {  	_ =	task [dreg:s7], $0x5FFFF  }
0xac: {  	[dreg:$0x1] =	wrdreg $0xFFFFFFFF  }
0xad: {  	[dreg:$0x0] =	wrdreg $0x60  }
0xae: {  	[dreg:$0x2] =	wrdreg s24  }
0xaf: {  	[dreg:$0x3] =	wrdreg s2  }
0xb0: {  	[dreg:$0x4] =	wrdreg $0xB7800  }
0xb1: {  	[dreg:$0x5] =	wrdreg $0x9  }
0xb2: {  	_ =	task.clear_ibuf [dreg:s7], $0x6FFFF;
	_ =	strace $0x90000046  }
0xb3: {  	s29 =	simm.s32 $0x9;
	_ =	strace $0x80000048  }
0xb4: {  	_ =	swait.ge [sflag:s29], $0x1  }
0xb5: {  	[sflag:s29] =	ssyncadd.s32 $0xFFFFFFFF  }
0xb6: {  	_ =	strace $0x90000048  }
0xb7: {  	_ =	sfence  }
0xb8: {  	s30 =	sld [smem:$0x0];
	_ =	sdelay $0x2  }
0xb9: {  	s31 =	sshll.u32 s1, $0xD;
	s1 =	sshrl.u32 s1, $0x2  }
0xba: {  	s3 =	sand.u32 $0x4000, s31;
	s1 =	sadd.s32 s1, s30  }
0xbb: {  	s0 =	sor.u32 s3, s0;
	s1 =	sshll.u32 s1, $0x11  }
0xbc: {  	s0 =	sor.u32 s1, s0  }
0xbd: {  	s0 =	sadd.s32 $0x8F2B, s0  }
0xbe: {  	[sflag:s0] =	ssyncadd.remote.s32 $0x1  }
0xbf: {  	_ =	sfence.sel $0xFFFF  }
0xc0: {  	[dreg:$0x0] =	wrdreg $0xFFFFFFFF;
	(pc) =	sbr.abs _section_cstart, $3  }
0xc1: {  	[dreg:$0x1] =	wrdreg $0xFFFFFFFF  }
0xc2: {  	_ =	task.clear_ibuf [dreg:s7], $0x2FFFF;
	_ =	strace $0x9FFFFFFF  }
0xc3: {  	(tm) =	ssettm $0x7FFFFFFF  }
tec
execute0_lowered:
.L_overlay_start_1:
0x0: {  	(tag) =	ssettag $0x1  }
0x1: {  	s6 =	rddreg [dreg:$0x0]  }
0x2: {  	s7 =	rddreg [dreg:$0x1]  }
0x3: {  	s2 =	rddreg [dreg:$0x2];
	s3 =	srdreg.scid  }
0x4: {  	s0 =	rddreg [dreg:$0x3];
	s1 =	stileid.u32;
	s16 =	simm.s32 $0x2  }
0x5: {  	s17 =	simm.s32 $0x2800;
	s18 =	simm.s32 $0x80;
	s19 =	simm.s32 $0x1  }
0x6: {  	s20 =	simm.s32 $0x9000;
	s21 =	simm.s32 $0x400;
	s10 =	smul.u32 $0x13C00, s1  }
0x7: {  	s5 =	sand.u32 $0x1, s3;
	s3 =	simm.s32 $0x0;
	s25 =	smul.u32 $0x4F000, s1  }
0x8: {  	s4 =	sshll.u32 s1, $0x1;
	s12 =	sshrl.u32 s1, $0x2;
	s8 =	smul.u32 $0x13C000, s5  }
0x9: {  	[smem:$0x7FF] =	sst s3;
	s9 =	sor.u32 s5, s4;
	s4 =	sadd.s32 $0xB600, s6  }
0xa: {  	s24 =	smul.u32 $0x13C00, s12;
	s28 =	ssub.s32 $0x2, s5;
	_ =	strace $0x80000047  }
0xb: {  	s11 =	smul.u32 $0x500, s9;
	s9 =	sshll.u32 s9, $0x7;
	s29 =	sshrl.u32 s25, $0x2  }
0xc: {  	s30 =	sshrl.u32 s28, $0x1;
	s8 =	sadd.s32 s10, s8;
	s26 =	sand.u32 $0x380, s9  }
0xd: {  	s5 =	sadd.s32 s29, s2;
	s15 =	ssub.s32 s28, s30;
	s8 =	sshrl.u32 s8, $0x3  }
0xe: {  	s13 =	sadd.s32 s11, s6;
	s7 =	sadd.s32 s7, s11;
	s11 =	smax.u32 s15, $0x1  }
0xf: {  	s12 =	sadd.s32 $0x4000, s5;
	s14 =	sadd.s32 s8, s6;
	s8 =	sor.u32 s24, s26  }
0x10: {  	s15 =	simm.s32 $0x5000;
	s8 =	sshrl.u32 s8, $0x3;
	s10 =	sadd.s32 $0xB1800, s14  }
0x11: {  	s14 =	sadd.s32 $0xC000, s5;
	s31 =	sadd.s32 s8, s6;
	s6 =	sadd.s32 $0x10000, s5  }
0x12: {  	v0 =	vimm.f32 $0.0e+00;
	s8 =	sadd.s32 $0x1600, s13;
	s13 =	sadd.s32 $0x8000, s5;
	s9 =	sadd.s32 $0xA7A00, s31  }
.LBB2_1:
0x13: {  	s22 =	simm.s32 $0x0;
	s23 =	simm.s32 $0x200  }
.LBB2_2:
0x14: {  	p0 =	sne.s32 s23, $0xFE00;
	[tilespmem:s22+$0x5070] =	vst v0  }
0x15: {  	[tilespmem:s22+$0x5000] =	vst v0  }
0x16: {  	[tilespmem:s22+$0x5010] =	vst v0  }
.Ltmp0:
0x17: {  	[tilespmem:s22+$0x5020] =	vst v0;
	(pc) =	sbr.rel @p0 .LBB2_2-.Ltmp0, $4  }
0x18: {  	[tilespmem:s22+$0x5030] =	vst v0  }
0x19: {  	[tilespmem:s22+$0x5040] =	vst v0  }
0x1a: {  	[tilespmem:s22+$0x5050] =	vst v0  }
0x1b: {  	[tilespmem:s22+$0x5060] =	vst v0;
	s22 =	sshra.s32 s23, $0x2;
	s23 =	sadd.s32 $0x200, s23  }
0x1c: {  	[tilespmem:s22+$0x5070] =	vst v0  }
0x1d: {  	[tilespmem:s22+$0x5000] =	vst v0  }
0x1e: {  	[tilespmem:s22+$0x5010] =	vst v0  }
0x1f: {  	[tilespmem:s22+$0x5020] =	vst v0  }
0x20: {  	[tilespmem:s22+$0x5030] =	vst v0  }
0x21: {  	[tilespmem:s22+$0x5040] =	vst v0  }
0x22: {  	[tilespmem:s22+$0x5050] =	vst v0  }
0x23: {  	[tilespmem:s22+$0x5060] =	vst v0;
	s22 =	simm.s32 $0x40;
	s23 =	simm.s32 $0x0  }
.LBB2_4:
0x24: {  	p0 =	sne.s32 s22, $0x9DC0;
	[tilespmem:s23+$0x9000] =	vst v0;
	s23 =	smov.u32 s22;
	s22 =	sadd.s32 $0x40, s22  }
.Ltmp1:
0x25: {  	(pc) =	sbr.rel @p0 .LBB2_4-.Ltmp1, $2  }
0x26: {  	_ =	sdelay $0x2  }
0x27: {  	s23 =	sshra.s32 s23, $0x2  }
0x28: {  	[tilespmem:s23+$0x9000] =	vst v0  }
0x29: {  	[spmem:s5] =	stream.linear.scatter [tilespmem:s15], [sflag:$0x2], $0x4000, $0x38;
	[tilespmem:$0x1F380] =	vst v63  }
0x2a: {  	_ =	swait.ge [sflag:s16], $0x4000  }
0x2b: {  	[sflag:s16] =	ssyncset.done $0x0  }
0x2c: {  	[sflag:s16] =	ssyncadd.s32 $0xFFFFC000  }
0x2d: {  	[spmem:s12] =	stream.linear.scatter [tilespmem:s15], [sflag:$0x2], $0x4000, $0x38;
	[tilespmem:$0x1F380] =	vst v63  }
0x2e: {  	_ =	swait.ge [sflag:s16], $0x4000  }
0x2f: {  	[sflag:s16] =	ssyncset.done $0x0  }
0x30: {  	[sflag:s16] =	ssyncadd.s32 $0xFFFFC000  }
0x31: {  	[spmem:s13] =	stream.linear.scatter [tilespmem:s15], [sflag:$0x2], $0x4000, $0x38;
	[tilespmem:$0x1F380] =	vst v63  }
0x32: {  	_ =	swait.ge [sflag:s16], $0x4000  }
0x33: {  	[sflag:s16] =	ssyncset.done $0x0  }
0x34: {  	[sflag:s16] =	ssyncadd.s32 $0xFFFFC000  }
0x35: {  	[spmem:s14] =	stream.linear.scatter [tilespmem:s15], [sflag:$0x2], $0x4000, $0x38;
	[tilespmem:$0x1F380] =	vst v63  }
0x36: {  	_ =	swait.ge [sflag:s16], $0x4000  }
0x37: {  	[sflag:s16] =	ssyncset.done $0x0  }
0x38: {  	[sflag:s16] =	ssyncadd.s32 $0xFFFFC000  }
0x39: {  	[spmem:s6] =	stream.linear.scatter [tilespmem:s15], [sflag:$0x2], $0x3C00, $0x38;
	[tilespmem:$0x1F380] =	vst v63  }
0x3a: {  	_ =	swait.ge [sflag:s16], $0x3C00  }
0x3b: {  	[sflag:s16] =	ssyncset.done $0x0  }
0x3c: {  	[sflag:s16] =	ssyncadd.s32 $0xFFFFC400  }
0x3d: {  	s22 =	simm.s32 $0x0;
	[bflag:$0x0] =	sbarrier.arrive $0xFFFF  }
0x3e: {  	[tilespmem:s22], [sflag:$0x2] =	stream.linear.gather [hbm4b:s7+s22], $0x2780, $0x38;
	[tilespmem:$0x1F380] =	vst v63  }
0x3f: {  	_ =	swait.ge [sflag:s16], $0x2780  }
0x40: {  	[sflag:s16] =	ssyncset.done $0x0  }
0x41: {  	[sflag:s16] =	ssyncadd.s32 $0xFFFFD880  }
0x42: {  	[tilespmem:s17], [sflag:$0x2] =	stream.linear.gather [hbm4b:s8+s22], $0x2780, $0x38;
	[tilespmem:$0x1F380] =	vst v63  }
0x43: {  	_ =	swait.ge [sflag:s16], $0x2780  }
0x44: {  	[sflag:s16] =	ssyncset.done $0x0  }
0x45: {  	[sflag:s16] =	ssyncadd.s32 $0xFFFFD880  }
.LBB2_6:
0x46: {  	s23 =	sshra.s32 s22, $0x2  }
0x47: {  	[tilespmem:s15], [sflag:$0x1] =	stream.indirect.gather [hbm4b:s4+s18], $0x80, s23, s18, $0xb8;
	[tilespmem:$0x1F380] =	vst v63  }
0x48: {  	_ =	swait.ge [sflag:s19], $0x4000  }
0x49: {  	[sflag:s19] =	ssyncset.done $0x0  }
0x4a: {  	s24 =	sadd.s32 $0x2800, s23;
	[sflag:s19] =	ssyncadd.s32 $0xFFFFC000  }
0x4b: {  	[spmem:s2] =	stream.indirect.scatter.add.f32 [tilespmem:s15], [sflag:$0x2], $0x80, s24, s18, $0xb8;
	[tilespmem:$0x1F380] =	vst v63  }
0x4c: {  	_ =	swait.ge [sflag:s16], $0x4000  }
0x4d: {  	[sflag:s16] =	ssyncset.done $0x0  }
0x4e: {  	[sflag:s16] =	ssyncadd.s32 $0xFFFFC000  }
0x4f: {  	v1 =	vld [tilespmem:s23+$0x2800];
	_ =	sdelay $0x4  }
0x50: {  	(xrf1) =	vunique.msk.u32 $0xffff, v1;
	_ =	sdelay $0xd  }
0x51: {  	_, v2, vm0 =	vpop (xrf1);
	_ =	sdelay $0x3  }
0x52: {  	v2 =	vcvt.s32.f32 v2;
	_ =	sdelay $0x1  }
0x53: {  	[tilespmem:v1+s20+$0x0] =	vst.idx.add.f32.msk vm0, v2  }
0x54: {  	v1 =	vld [tilespmem:s23+$0x2810];
	_ =	sdelay $0x4  }
0x55: {  	(xrf1) =	vunique.msk.u32 $0xffff, v1;
	_ =	sdelay $0xd  }
0x56: {  	_, v2, vm0 =	vpop (xrf1);
	_ =	sdelay $0x3  }
0x57: {  	v2 =	vcvt.s32.f32 v2;
	_ =	sdelay $0x1  }
0x58: {  	[tilespmem:v1+s20+$0x0] =	vst.idx.add.f32.msk vm0, v2  }
0x59: {  	v1 =	vld [tilespmem:s23+$0x2820];
	_ =	sdelay $0x4  }
0x5a: {  	(xrf1) =	vunique.msk.u32 $0xffff, v1;
	_ =	sdelay $0xd  }
0x5b: {  	_, v2, vm0 =	vpop (xrf1);
	_ =	sdelay $0x3  }
0x5c: {  	v2 =	vcvt.s32.f32 v2;
	_ =	sdelay $0x1  }
0x5d: {  	[tilespmem:v1+s20+$0x0] =	vst.idx.add.f32.msk vm0, v2  }
0x5e: {  	v1 =	vld [tilespmem:s23+$0x2830];
	_ =	sdelay $0x4  }
0x5f: {  	(xrf1) =	vunique.msk.u32 $0xffff, v1;
	_ =	sdelay $0xd  }
0x60: {  	_, v2, vm0 =	vpop (xrf1);
	_ =	sdelay $0x3  }
0x61: {  	v2 =	vcvt.s32.f32 v2;
	_ =	sdelay $0x1  }
0x62: {  	[tilespmem:v1+s20+$0x0] =	vst.idx.add.f32.msk vm0, v2  }
0x63: {  	v1 =	vld [tilespmem:s23+$0x2840];
	_ =	sdelay $0x4  }
0x64: {  	(xrf1) =	vunique.msk.u32 $0xffff, v1;
	_ =	sdelay $0xd  }
0x65: {  	_, v2, vm0 =	vpop (xrf1);
	_ =	sdelay $0x3  }
0x66: {  	v2 =	vcvt.s32.f32 v2;
	_ =	sdelay $0x1  }
0x67: {  	[tilespmem:v1+s20+$0x0] =	vst.idx.add.f32.msk vm0, v2  }
0x68: {  	v1 =	vld [tilespmem:s23+$0x2850];
	_ =	sdelay $0x4  }
0x69: {  	(xrf1) =	vunique.msk.u32 $0xffff, v1;
	_ =	sdelay $0xd  }
0x6a: {  	_, v2, vm0 =	vpop (xrf1);
	_ =	sdelay $0x3  }
0x6b: {  	v2 =	vcvt.s32.f32 v2;
	_ =	sdelay $0x1  }
0x6c: {  	[tilespmem:v1+s20+$0x0] =	vst.idx.add.f32.msk vm0, v2  }
0x6d: {  	v1 =	vld [tilespmem:s23+$0x2860];
	_ =	sdelay $0x4  }
0x6e: {  	(xrf1) =	vunique.msk.u32 $0xffff, v1;
	_ =	sdelay $0xd  }
0x6f: {  	_, v2, vm0 =	vpop (xrf1);
	_ =	sdelay $0x3  }
0x70: {  	v2 =	vcvt.s32.f32 v2;
	_ =	sdelay $0x1  }
0x71: {  	[tilespmem:v1+s20+$0x0] =	vst.idx.add.f32.msk vm0, v2  }
0x72: {  	v1 =	vld [tilespmem:s23+$0x2870];
	_ =	sdelay $0x4  }
0x73: {  	(xrf1) =	vunique.msk.u32 $0xffff, v1;
	_ =	sdelay $0xd  }
0x74: {  	_, v2, vm0 =	vpop (xrf1)  }
0x75: {  	p0 =	sne.s32 s22, $0x9C00  }
.Ltmp2:
0x76: {  	_ = 	snop;
	(pc) =	sbr.rel @p0 .LBB2_6-.Ltmp2, $3  }
0x77: {  	_ = 	snop  }
0x78: {  	v2 =	vcvt.s32.f32 v2;
	_ =	sdelay $0x1  }
0x79: {  	s22 =	sadd.s32 $0x200, s22;
	[tilespmem:v1+s20+$0x0] =	vst.idx.add.f32.msk vm0, v2  }
0x7a: {  	[hbm4b:s9+s18] =	stream.strided.scatter [tilespmem:s20], [sflag:$0x2], $0x2780, s21, s18, $0x38;
	[tilespmem:$0x1F380] =	vst v63  }
0x7b: {  	_ =	swait.ge [sflag:s16], $0x2780  }
0x7c: {  	s22 =	sshll.u32 s1, $0x6;
	s3 =	sadd.s32 $0x1, s3;
	[sflag:s16] =	ssyncset.done $0x0  }
0x7d: {  	s23 =	sshrl.u32 s5, $0x3;
	p0 =	sne.s32 s3, s11;
	[sflag:s16] =	ssyncadd.s32 $0xFFFFD880  }
.Ltmp3:
0x7e: {  	s22 =	sor.u32 $0x1C02, s22;
	[bflag:$0x0] =	sbarrier.arrive $0xFFFF;
	(pc) =	sbr.rel @p0 .LBB2_1-.Ltmp3, $4  }
0x7f: {  	[hbm:s10], [sflag:s22] =	dma.local [spmem:s23], $0x2780  }
0x80: {  	_ =	swait.ge [sflag:s16], $0x2780  }
0x81: {  	[sflag:s16] =	ssyncset.done $0x0  }
0x82: {  	[sflag:s16] =	ssyncadd.s32 $0xFFFFD880  }
0x83: {  	_ =	sfence.sel $0x180000  }
0x84: {  	[bflag:$0x0] =	sbarrier.arrive $0xFFFF  }
0x85: {  	p0 =	sne.s32 s1, $0x0;
	_ =	strace $0x90000047  }
0x86: {  	s0 =	sadd.s32 @!p0 $0x100000, s0;
	[bflag:$0x2] =	sbarrier.arrive $0xFFFF  }
0x87: {  	[sflag:s0] =	ssyncadd.tile.s32 @!p0 $0x1;
	_ =	shalt  }
.Lfunc_end2:
_tile_overlayer_lowered:
.L_overlay_start_2:
0x88: {  	(tag) =	ssettag $0x2  }
0x89: {  	s0 =	rddreg [dreg:$0x0];
	s2 =	stileid.u32  }
0x8a: {  	s1 =	rddreg [dreg:$0x1];
	p0 =	sne.s32 s2, $0x0  }
0x8b: {  	s3 =	rddreg [dreg:$0x2];
	[bflag:$0x3] =	sbarrier.arrive $0xFFFF;
	s2 =	simm.s32 @!p0 $0x1C02  }
0x8c: {  	[timem:s3], [sflag:s2] =	dma.local @!p0 [hbm:s0], s1  }
0x8d: {  	s0 =	simm.s32 @!p0 $0x2  }
0x8e: {  	_ =	swait.ge @!p0 [sflag:s0], s1  }
0x8f: {  	s1 =	ssub.s32 @!p0 $0x0, s1;
	[sflag:s0] =	ssyncset.done @!p0 $0x0  }
0x90: {  	[sflag:s0] =	ssyncadd.s32 @!p0 s1  }
0x91: {  	[bflag:$0x3] =	sbarrier.arrive $0xFFFF  }
0x92: {  	_ =	shalt  }

</sc_bundles>
